<compile_context>
chip_gen: v7x
topology: tpu7x:2x2x1
jax: 0.10.2.dev20260603
libtpu: 0.0.44.dev20260713+nightly
codegen_flags: <defaults>
</compile_context>

<pallas_src>
import functools

import jax
import jax.numpy as jnp
from jax import lax
from jax.experimental import pallas as pl
from jax.experimental.pallas import tpu as pltpu
from jax.experimental.pallas import tpu_sc as plsc

B = 4096
S = 32
H = 128
L = 16

NC = 2
NS = 16
NW = NC * NS
RPW = B // NW
G = 128
CW = RPW * S // G
TPW = RPW * S
HC = H // L
NBUF = 6
AHEAD = 4
RING = NBUF * G


def _build_kernel():
  decorate = functools.partial(
    pl.kernel,
    out_type=jax.ShapeDtypeStruct((B, H), jnp.float32),
    mesh=plsc.VectorSubcoreMesh(core_axis_name="c", subcore_axis_name="s"),
    compiler_params=pltpu.CompilerParams(
        needs_layout_passes=False, use_tc_tiling_on_sc=False),
    scratch_types=[
        pltpu.VMEM((RPW, S), jnp.int32),
        pltpu.VMEM((TPW,), jnp.int32),
        pltpu.VMEM((RPW, S), jnp.int32),
        pltpu.VMEM((RING, H), jnp.float32),
        pltpu.VMEM((RPW, H), jnp.float32),
        pltpu.VMEM((RPW, L), jnp.int32),
        pltpu.VMEM((RPW, L), jnp.float32),
        pltpu.SemaphoreType.DMA((NBUF,)),
        pltpu.SemaphoreType.DMA,
    ],
  )

  @decorate
  def _pool_kernel(table_hbm, ids_hbm, mask_hbm, out_hbm,
                 ids_v, packed_v, mask_v, rows_v, out_v, enx_v, invx_v,
                 sems, osem):
    w = lax.axis_index("s") * NC + lax.axis_index("c")

    pltpu.sync_copy(ids_hbm.at[pl.ds(w * RPW, RPW)], ids_v)
    pltpu.sync_copy(mask_hbm.at[pl.ds(w * RPW, RPW)], mask_v)

    def dcopy(c):
        boff = (c - (c // NBUF) * NBUF) * G
        return pltpu.make_async_copy(
            table_hbm.at[packed_v.at[pl.ds(c * G, G)]],
            rows_v.at[pl.ds(boff, G)],
            sems.at[c - (c // NBUF) * NBUF])

    def pack_row(g, carry):
        off, doff = carry

        def chunk(j, c_):
            off_, doff_ = c_
            mv = mask_v[g, pl.ds(j * L, L)]
            keep = mv != 0
            incl = plsc.cumsum(mv)
            dincl = plsc.cumsum(1 - mv)
            ids_c = ids_v[g, pl.ds(j * L, L)]
            plsc.store_scatter(packed_v, [off_ + incl - 1], ids_c, mask=keep)
            plsc.store_scatter(
                packed_v, [(TPW - 1 - doff_) - (dincl - 1)], ids_c,
                mask=jnp.logical_not(keep))
            return (off_ + incl[L - 1], doff_ + dincl[L - 1])

        off2, doff2 = lax.fori_loop(0, 2, chunk, (off, doff))
        enx_v[g] = jnp.full((L,), 0, jnp.int32) + off2
        cntv = jnp.full((L,), 0.0, jnp.float32) + (off2 - off).astype(jnp.float32)
        invx_v[g] = 1.0 / jnp.maximum(cntv, 1.0)

        cc = off // G

        @pl.when((off2 // G > cc) & (cc < AHEAD))
        def _():
            dcopy(cc).start()

        return (off2, doff2)

    kept, _ = lax.fori_loop(0, RPW, pack_row, (jnp.int32(0), jnp.int32(0)))
    nch = (kept + (G - 1)) // G
    nfull = kept // G

    @pl.when((nfull < AHEAD) & (nfull < nch))
    def _():
        dcopy(nfull).start()

    def row_loop_body(carry):
        g, st, en = carry

        def s_body(p, acc):
            pidx = acc[HC]
            new = tuple(
                acc[h] + rows_v[pidx, pl.ds(h * L, L)] for h in range(HC))
            pidx1 = pidx + 1
            pidx1 = jnp.where(pidx1 == RING, 0, pidx1)
            return (*new, pidx1)

        pidx0 = st - (st // RING) * RING
        res = lax.fori_loop(
            st, en, s_body,
            tuple(jnp.zeros((L,), jnp.float32) for _ in range(HC)) + (pidx0,))
        invv = invx_v[g]
        for h in range(HC):
            out_v[g, pl.ds(h * L, L)] = res[h] * invv

        @pl.when((g & 31) == 31)
        def _():
            go = g - 31
            pltpu.make_async_copy(
                out_v.at[pl.ds(go, 32)],
                out_hbm.at[pl.ds(w * RPW + go, 32)], osem).start()

        en_next = enx_v[jnp.minimum(g + 1, RPW - 1)][0]
        return (g + 1, en, en_next)

    def process_rows(carry, limit):
        def cond(carry):
            g, st, en = carry
            return (g < RPW) & (en <= limit)

        return lax.while_loop(cond, row_loop_body, carry)

    def step(c, carry):
        @pl.when(c < nch)
        def _():
            dcopy(c).wait()

        @pl.when(c + AHEAD < nch)
        def _():
            dcopy(c + AHEAD).start()
        return process_rows(carry, (c + 1) * G)

    carry = (jnp.int32(0), jnp.int32(0), enx_v[0][0])
    lax.fori_loop(0, jnp.maximum(nch, 1), step, carry)

    for k in range(RPW // 32):
        pltpu.make_async_copy(
            out_v.at[pl.ds(k * 32, 32)],
            out_hbm.at[pl.ds(w * RPW + k * 32, 32)], osem).wait()


  return _pool_kernel


@functools.lru_cache(maxsize=1)
def _get_kernel():
    return _build_kernel()


def kernel(ids, mask, embed_table):
    return _get_kernel()(embed_table, ids, mask)

# --- scband reference (transcript-rebuilt; emitter-appended) ---
"""Pipeline reference for scband-mean-pool-encoder-50508815400980 (READ-ONLY COPY).

The authoritative reference and input builder live on the scoring server;
editing this copy changes nothing except your own understanding.
"""

import jax, jax.numpy as jnp
import numpy as np

BATCH = 4096
SEQ = 32
VOCAB = 100000
HIDDEN = 128


def setup_inputs(seed: int = 0) -> dict:
    key = jax.random.key(seed)
    k_ids, k_mask, k_tbl = jax.random.split(key, 3)
    ids = jax.random.randint(k_ids, (BATCH, SEQ), 0, VOCAB, dtype=jnp.int64 if jax.config.jax_enable_x64 else jnp.int32).astype(jnp.int64) if False else jax.random.randint(k_ids, (BATCH, SEQ), 0, VOCAB, dtype=jnp.int32)
    mask = jax.random.randint(k_mask, (BATCH, SEQ), 0, 2, dtype=jnp.int32)
    embed_table = jax.random.normal(k_tbl, (VOCAB, HIDDEN), dtype=jnp.float32)
    return {"ids": ids, "mask": mask, "embed_table": embed_table}


def reference(ids, mask, embed_table):
    # embedding lookup: model.get_input_embeddings()(ids)
    e = jnp.take(embed_table, ids, axis=0)  # [B, S, H]
    # masked mean pool, matching torch: (e * m).sum(1) / m.sum(1).clamp_min(1.0)
    m = mask[..., None].astype(jnp.float32)  # [B, S, 1]
    pooled = (e * m).sum(axis=1) / jnp.maximum(m.sum(axis=1), 1.0)
    return pooled.astype(jnp.float32)

if __name__ == "__main__":
    import jax
    _d = setup_inputs()
    print(jax.jit(kernel)(*tuple(_d.values())))

</pallas_src>

<mosaic_0001>
#map = affine_map<(d0, d1) -> (0, 0)>
module attributes {stable_mosaic.version = 14 : i64} {
  func.func @_pool_kernel(%arg0: i32, %arg1: i32, %arg2: memref<100000x128xf32, #tpu.memory_space<hbm>>, %arg3: memref<4096x32xi32, #tpu.memory_space<hbm>>, %arg4: memref<4096x32xi32, #tpu.memory_space<hbm>>, %arg5: memref<4096x128xf32, #tpu.memory_space<hbm>>, %arg6: memref<128x32xi32, #tpu.memory_space<vmem>>, %arg7: memref<4096xi32, #tpu.memory_space<vmem>>, %arg8: memref<128x32xi32, #tpu.memory_space<vmem>>, %arg9: memref<768x128xf32, #tpu.memory_space<vmem>>, %arg10: memref<128x128xf32, #tpu.memory_space<vmem>>, %arg11: memref<128x16xi32, #tpu.memory_space<vmem>>, %arg12: memref<128x16xf32, #tpu.memory_space<vmem>>, %arg13: memref<6x!tpu.dma_semaphore, #tpu.memory_space<semaphore_mem>>, %arg14: memref<!tpu.dma_semaphore, #tpu.memory_space<semaphore_mem>>) attributes {dimension_semantics = [#tpu.dimension_semantics<core_parallel>, #tpu.dimension_semantics<subcore_parallel>], iteration_bounds = array<i64: 2, 16>, scalar_prefetch = 0 : i64, scratch_operands = 9 : i64, tpu.core_type = #tpu.core_type<sc_vector_subcore>, window_params = [{transform_indices = #map}, {transform_indices = #map}, {transform_indices = #map}, {transform_indices = #map}]} {
    %mul3A = arith.constant 2 : i32
    %mul3A_0 = arith.muli %arg1, %mul3A : i32
    %add3A = arith.addi %mul3A_0, %arg0 : i32
    %mul3A_1 = arith.constant 128 : i32
    %mul3A_2 = arith.muli %add3A, %mul3A_1 : i32
    "tpu.region"() ({
      %run_scoped3A = tpu.sem_alloc : memref<!tpu.dma_semaphore, #tpu.memory_space<semaphore_mem>>
      %dma_start3A = arith.constant 0 : i32
      %dma_start3A_129 = tpu.memref_slice %arg3[%mul3A_2, %dma_start3A] : memref<4096x32xi32, #tpu.memory_space<hbm>> -> memref<128x32xi32, #tpu.memory_space<hbm>>
      %dma_start3A_130 = arith.constant 0 : i32
      %dma_start3A_131 = tpu.memref_slice %arg3[%mul3A_2, %dma_start3A_130] : memref<4096x32xi32, #tpu.memory_space<hbm>> -> memref<128x32xi32, #tpu.memory_space<hbm>>
      tpu.enqueue_dma source(%dma_start3A_131 : memref<128x32xi32, #tpu.memory_space<hbm>>) target(%arg6 : memref<128x32xi32, #tpu.memory_space<vmem>>) target_semaphore(%run_scoped3A : memref<!tpu.dma_semaphore, #tpu.memory_space<semaphore_mem>>)
      %dma_wait3A_132 = arith.constant 0 : i32
      %dma_wait3A_133 = tpu.memref_slice %arg3[%mul3A_2, %dma_wait3A_132] : memref<4096x32xi32, #tpu.memory_space<hbm>> -> memref<128x32xi32, #tpu.memory_space<hbm>>
      %dma_wait3A_134 = arith.constant 0 : i32
      %dma_wait3A_135 = tpu.memref_slice %arg3[%mul3A_2, %dma_wait3A_134] : memref<4096x32xi32, #tpu.memory_space<hbm>> -> memref<128x32xi32, #tpu.memory_space<hbm>>
      tpu.wait_dma2 semaphore(%run_scoped3A : memref<!tpu.dma_semaphore, #tpu.memory_space<semaphore_mem>>) src(%dma_wait3A_135 : memref<128x32xi32, #tpu.memory_space<hbm>>) dst(%arg6 : memref<128x32xi32, #tpu.memory_space<vmem>>)
      tpu.yield
    }) : () -> ()
    %mul3A_3 = arith.constant 128 : i32
    %mul3A_4 = arith.muli %add3A, %mul3A_3 : i32
    "tpu.region"() ({
      %run_scoped3A = tpu.sem_alloc : memref<!tpu.dma_semaphore, #tpu.memory_space<semaphore_mem>>
      %dma_start3A = arith.constant 0 : i32
      %dma_start3A_129 = tpu.memref_slice %arg4[%mul3A_4, %dma_start3A] : memref<4096x32xi32, #tpu.memory_space<hbm>> -> memref<128x32xi32, #tpu.memory_space<hbm>>
      %dma_start3A_130 = arith.constant 0 : i32
      %dma_start3A_131 = tpu.memref_slice %arg4[%mul3A_4, %dma_start3A_130] : memref<4096x32xi32, #tpu.memory_space<hbm>> -> memref<128x32xi32, #tpu.memory_space<hbm>>
      tpu.enqueue_dma source(%dma_start3A_131 : memref<128x32xi32, #tpu.memory_space<hbm>>) target(%arg8 : memref<128x32xi32, #tpu.memory_space<vmem>>) target_semaphore(%run_scoped3A : memref<!tpu.dma_semaphore, #tpu.memory_space<semaphore_mem>>)
      %dma_wait3A_132 = arith.constant 0 : i32
      %dma_wait3A_133 = tpu.memref_slice %arg4[%mul3A_4, %dma_wait3A_132] : memref<4096x32xi32, #tpu.memory_space<hbm>> -> memref<128x32xi32, #tpu.memory_space<hbm>>
      %dma_wait3A_134 = arith.constant 0 : i32
      %dma_wait3A_135 = tpu.memref_slice %arg4[%mul3A_4, %dma_wait3A_134] : memref<4096x32xi32, #tpu.memory_space<hbm>> -> memref<128x32xi32, #tpu.memory_space<hbm>>
      tpu.wait_dma2 semaphore(%run_scoped3A : memref<!tpu.dma_semaphore, #tpu.memory_space<semaphore_mem>>) src(%dma_wait3A_135 : memref<128x32xi32, #tpu.memory_space<hbm>>) dst(%arg8 : memref<128x32xi32, #tpu.memory_space<vmem>>)
      tpu.yield
    }) : () -> ()
    %scan3A = arith.constant 0 : i32
    %scan3A_5 = arith.constant 0 : i32
    %scan3A_6 = arith.constant 0 : i32
    %scan3A_7 = arith.constant 128 : i32
    %scan3A_8 = arith.addi %scan3A_6, %scan3A_7 : i32
    %scan3A_9 = arith.constant 1 : i32
    %scan3A_10:2 = scf.for %scan3A_129 = %scan3A_6 to %scan3A_8 step %scan3A_9 iter_args(%scan3A_130 = %scan3A, %scan3A_131 = %scan3A_5) -> (i32, i32)  : i32 {
      %scan3A_132 = arith.constant 0 : i32
      %scan3A_133 = arith.constant 2 : i32
      %scan3A_134 = arith.addi %scan3A_132, %scan3A_133 : i32
      %scan3A_135 = arith.constant 1 : i32
      %scan3A_136:2 = scf.for %scan3A_212 = %scan3A_132 to %scan3A_134 step %scan3A_135 iter_args(%scan3A_213 = %scan3A_130, %scan3A_214 = %scan3A_131) -> (i32, i32)  : i32 {
        %mul3A_215 = arith.constant 16 : i32
        %mul3A_216 = arith.muli %scan3A_212, %mul3A_215 : i32
        %get3A_217 = arith.index_cast %scan3A_129 : i32 to index
        %get3A_218 = arith.index_cast %mul3A_216 : i32 to index
        %get3A_219 = tpu.vector_load %arg8[%get3A_217, %get3A_218] {strides = array<i32>} : memref<128x32xi32, #tpu.memory_space<vmem>>, vector<16xi32>,
        %ne3A_220 = arith.constant 0 : i32
        %ne3A_221 = vector.broadcast %ne3A_220 : i32 to vector<16xi32>
        %ne3A_222 = arith.cmpi ne, %get3A_219, %ne3A_221 : vector<16xi32>
        %broadcast_in_dim3A_223 = arith.constant true
        %broadcast_in_dim3A_224 = vector.broadcast %broadcast_in_dim3A_223 : i1 to vector<16xi1>
        %masked_cumsum3A = tpu.scan <sum>, %get3A_219 masked %broadcast_in_dim3A_224 : vector<16xi32>, vector<16xi1> -> vector<16xi32>
        %sub3A_225 = arith.constant 1 : i32
        %sub3A_226 = vector.broadcast %sub3A_225 : i32 to vector<16xi32>
        %sub3A_227 = arith.subi %sub3A_226, %get3A_219 : vector<16xi32>
        %broadcast_in_dim3A_228 = arith.constant true
        %broadcast_in_dim3A_229 = vector.broadcast %broadcast_in_dim3A_228 : i1 to vector<16xi1>
        %masked_cumsum3A_230 = tpu.scan <sum>, %sub3A_227 masked %broadcast_in_dim3A_229 : vector<16xi32>, vector<16xi1> -> vector<16xi32>
        %mul3A_231 = arith.constant 16 : i32
        %mul3A_232 = arith.muli %scan3A_212, %mul3A_231 : i32
        %get3A_233 = arith.index_cast %scan3A_129 : i32 to index
        %get3A_234 = arith.index_cast %mul3A_232 : i32 to index
        %get3A_235 = tpu.vector_load %arg6[%get3A_233, %get3A_234] {strides = array<i32>} : memref<128x32xi32, #tpu.memory_space<vmem>>, vector<16xi32>,
        %add3A_236 = vector.broadcast %scan3A_213 : i32 to vector<16xi32>
        %add3A_237 = arith.addi %add3A_236, %masked_cumsum3A : vector<16xi32>
        %sub3A_238 = arith.constant 1 : i32
        %sub3A_239 = vector.broadcast %sub3A_238 : i32 to vector<16xi32>
        %sub3A_240 = arith.subi %add3A_237, %sub3A_239 : vector<16xi32>
        tpu.vector_store_idx %arg7[%sub3A_240], %get3A_235 masked %ne3A_222 : memref<4096xi32, #tpu.memory_space<vmem>>[vector<16xi32>], vector<16xi32>, vector<16xi1>
        %sub3A_241 = arith.constant 4095 : i32
        %sub3A_242 = arith.subi %sub3A_241, %scan3A_214 : i32
        %sub3A_243 = arith.constant 1 : i32
        %sub3A_244 = vector.broadcast %sub3A_243 : i32 to vector<16xi32>
        %sub3A_245 = arith.subi %masked_cumsum3A_230, %sub3A_244 : vector<16xi32>
        %sub3A_246 = vector.broadcast %sub3A_242 : i32 to vector<16xi32>
        %sub3A_247 = arith.subi %sub3A_246, %sub3A_245 : vector<16xi32>
        %not3A = arith.constant dense<true> : vector<16xi1>
        %not3A_248 = arith.xori %ne3A_222, %not3A : vector<16xi1>
        tpu.vector_store_idx %arg7[%sub3A_247], %get3A_235 masked %not3A_248 : memref<4096xi32, #tpu.memory_space<vmem>>[vector<16xi32>], vector<16xi32>, vector<16xi1>
        %slice3A_249 = vector.extract_strided_slice %masked_cumsum3A {offsets = [15], sizes = [1], strides = [1]} : vector<16xi32> to vector<1xi32>
        %squeeze3A_250 = vector.extract %slice3A_249[0] : i32 from vector<1xi32>
        %add3A_251 = arith.addi %scan3A_213, %squeeze3A_250 : i32
        %slice3A_252 = vector.extract_strided_slice %masked_cumsum3A_230 {offsets = [15], sizes = [1], strides = [1]} : vector<16xi32> to vector<1xi32>
        %squeeze3A_253 = vector.extract %slice3A_252[0] : i32 from vector<1xi32>
        %add3A_254 = arith.addi %scan3A_214, %squeeze3A_253 : i32
        scf.yield %add3A_251, %add3A_254 : i32, i32
      }
      %scan3A_137 = arith.constant 2 : i32
      %broadcast_in_dim3A = arith.constant 0 : i32
      %broadcast_in_dim3A_138 = vector.broadcast %broadcast_in_dim3A : i32 to vector<16xi32>
      %add3A_139 = vector.broadcast %scan3A_136#0 : i32 to vector<16xi32>
      %add3A_140 = arith.addi %broadcast_in_dim3A_138, %add3A_139 : vector<16xi32>
      %swap3A = arith.index_cast %scan3A_129 : i32 to index
      %swap3A_141 = arith.constant 0 : index
      %swap3A_142 = tpu.vector_load %arg11[%swap3A, %swap3A_141] {strides = array<i32>} : memref<128x16xi32, #tpu.memory_space<vmem>>, vector<16xi32>,
      tpu.vector_store %arg11[%swap3A, %swap3A_141], %add3A_140 {strides = array<i32>} : memref<128x16xi32, #tpu.memory_space<vmem>>, vector<16xi32>,
      %broadcast_in_dim3A_143 = arith.constant 0.000000e+00 : f32
      %broadcast_in_dim3A_144 = vector.broadcast %broadcast_in_dim3A_143 : f32 to vector<16xf32>
      %sub3A_145 = arith.subi %scan3A_136#0, %scan3A_130 : i32
      %convert_element_type3A_146 = arith.sitofp %sub3A_145 : i32 to f32
      %add3A_147 = vector.broadcast %convert_element_type3A_146 : f32 to vector<16xf32>
      %add3A_148 = arith.addf %broadcast_in_dim3A_144, %add3A_147 : vector<16xf32>
      %max3A_149 = arith.constant 1.000000e+00 : f32
      %max3A_150 = vector.broadcast %max3A_149 : f32 to vector<16xf32>
      %max3A_151 = arith.maximumf %add3A_148, %max3A_150 : vector<16xf32>
      %div3A_152 = arith.constant 1.000000e+00 : f32
      %div3A_153 = vector.broadcast %div3A_152 : f32 to vector<16xf32>
      %div3A_154 = arith.divf %div3A_153, %max3A_151 : vector<16xf32>
      %swap3A_155 = arith.index_cast %scan3A_129 : i32 to index
      %swap3A_156 = arith.constant 0 : index
      %swap3A_157 = tpu.vector_load %arg12[%swap3A_155, %swap3A_156] {strides = array<i32>} : memref<128x16xf32, #tpu.memory_space<vmem>>, vector<16xf32>,
      tpu.vector_store %arg12[%swap3A_155, %swap3A_156], %div3A_154 {strides = array<i32>} : memref<128x16xf32, #tpu.memory_space<vmem>>, vector<16xf32>,
      %jit3A_158 = arith.constant 128 : i32
      %div3A_159 = arith.divsi %scan3A_130, %jit3A_158 : i32
      %sign3A_160 = arith.constant 0 : i32
      %sign3A_161 = arith.cmpi sgt, %scan3A_130, %sign3A_160 : i32
      %sign3A_162 = arith.extui %sign3A_161 : i1 to i32
      %sign3A_163 = arith.constant 0 : i32
      %sign3A_164 = arith.cmpi slt, %scan3A_130, %sign3A_163 : i32
      %sign3A_165 = arith.extui %sign3A_164 : i1 to i32
      %sign3A_166 = arith.subi %sign3A_162, %sign3A_165 : i32
      %sign3A_167 = arith.constant 0 : i32
      %sign3A_168 = arith.cmpi sgt, %jit3A_158, %sign3A_167 : i32
      %sign3A_169 = arith.extui %sign3A_168 : i1 to i32
      %sign3A_170 = arith.constant 0 : i32
      %sign3A_171 = arith.cmpi slt, %jit3A_158, %sign3A_170 : i32
      %sign3A_172 = arith.extui %sign3A_171 : i1 to i32
      %sign3A_173 = arith.subi %sign3A_169, %sign3A_172 : i32
      %ne3A_174 = arith.cmpi ne, %sign3A_166, %sign3A_173 : i32
      %rem3A_175 = arith.remsi %scan3A_130, %jit3A_158 : i32
      %ne3A_176 = arith.constant 0 : i32
      %ne3A_177 = arith.cmpi ne, %rem3A_175, %ne3A_176 : i32
      %and3A_178 = arith.andi %ne3A_174, %ne3A_177 : i1
      %sub3A_179 = arith.constant 1 : i32
      %sub3A_180 = arith.subi %div3A_159, %sub3A_179 : i32
      %select_n3A_181 = arith.select %and3A_178, %sub3A_180, %div3A_159 : i32
      %jit3A_182 = arith.constant 128 : i32
      %div3A_183 = arith.divsi %scan3A_136#0, %jit3A_182 : i32
      %sign3A_184 = arith.constant 0 : i32
      %sign3A_185 = arith.cmpi sgt, %scan3A_136#0, %sign3A_184 : i32
      %sign3A_186 = arith.extui %sign3A_185 : i1 to i32
      %sign3A_187 = arith.constant 0 : i32
      %sign3A_188 = arith.cmpi slt, %scan3A_136#0, %sign3A_187 : i32
      %sign3A_189 = arith.extui %sign3A_188 : i1 to i32
      %sign3A_190 = arith.subi %sign3A_186, %sign3A_189 : i32
      %sign3A_191 = arith.constant 0 : i32
      %sign3A_192 = arith.cmpi sgt, %jit3A_182, %sign3A_191 : i32
      %sign3A_193 = arith.extui %sign3A_192 : i1 to i32
      %sign3A_194 = arith.constant 0 : i32
      %sign3A_195 = arith.cmpi slt, %jit3A_182, %sign3A_194 : i32
      %sign3A_196 = arith.extui %sign3A_195 : i1 to i32
      %sign3A_197 = arith.subi %sign3A_193, %sign3A_196 : i32
      %ne3A_198 = arith.cmpi ne, %sign3A_190, %sign3A_197 : i32
      %rem3A_199 = arith.remsi %scan3A_136#0, %jit3A_182 : i32
      %ne3A_200 = arith.constant 0 : i32
      %ne3A_201 = arith.cmpi ne, %rem3A_199, %ne3A_200 : i32
      %and3A_202 = arith.andi %ne3A_198, %ne3A_201 : i1
      %sub3A_203 = arith.constant 1 : i32
      %sub3A_204 = arith.subi %div3A_183, %sub3A_203 : i32
      %select_n3A_205 = arith.select %and3A_202, %sub3A_204, %div3A_183 : i32
      %gt3A = arith.cmpi sgt, %select_n3A_205, %select_n3A_181 : i32
      %lt3A_206 = arith.constant 4 : i32
      %lt3A_207 = arith.cmpi slt, %select_n3A_181, %lt3A_206 : i32
      %and3A_208 = arith.andi %gt3A, %lt3A_207 : i1
      %convert_element_type3A_209 = arith.extui %and3A_208 : i1 to i32
      %cond3A_210 = arith.constant 0 : i32
      %cond3A_211 = arith.cmpi ne, %convert_element_type3A_209, %cond3A_210 : i32
      scf.if %cond3A_211 {
        %jit3A_212 = arith.constant 6 : i32
        %div3A_213 = arith.divsi %select_n3A_181, %jit3A_212 : i32
        %sign3A_214 = arith.constant 0 : i32
        %sign3A_215 = arith.cmpi sgt, %select_n3A_181, %sign3A_214 : i32
        %sign3A_216 = arith.extui %sign3A_215 : i1 to i32
        %sign3A_217 = arith.constant 0 : i32
        %sign3A_218 = arith.cmpi slt, %select_n3A_181, %sign3A_217 : i32
        %sign3A_219 = arith.extui %sign3A_218 : i1 to i32
        %sign3A_220 = arith.subi %sign3A_216, %sign3A_219 : i32
        %sign3A_221 = arith.constant 0 : i32
        %sign3A_222 = arith.cmpi sgt, %jit3A_212, %sign3A_221 : i32
        %sign3A_223 = arith.extui %sign3A_222 : i1 to i32
        %sign3A_224 = arith.constant 0 : i32
        %sign3A_225 = arith.cmpi slt, %jit3A_212, %sign3A_224 : i32
        %sign3A_226 = arith.extui %sign3A_225 : i1 to i32
        %sign3A_227 = arith.subi %sign3A_223, %sign3A_226 : i32
        %ne3A_228 = arith.cmpi ne, %sign3A_220, %sign3A_227 : i32
        %rem3A_229 = arith.remsi %select_n3A_181, %jit3A_212 : i32
        %ne3A_230 = arith.constant 0 : i32
        %ne3A_231 = arith.cmpi ne, %rem3A_229, %ne3A_230 : i32
        %and3A_232 = arith.andi %ne3A_228, %ne3A_231 : i1
        %sub3A_233 = arith.constant 1 : i32
        %sub3A_234 = arith.subi %div3A_213, %sub3A_233 : i32
        %select_n3A_235 = arith.select %and3A_232, %sub3A_234, %div3A_213 : i32
        %mul3A_236 = arith.constant 6 : i32
        %mul3A_237 = arith.muli %select_n3A_235, %mul3A_236 : i32
        %sub3A_238 = arith.subi %select_n3A_181, %mul3A_237 : i32
        %mul3A_239 = arith.constant 128 : i32
        %mul3A_240 = arith.muli %sub3A_238, %mul3A_239 : i32
        %mul3A_241 = arith.constant 128 : i32
        %mul3A_242 = arith.muli %select_n3A_181, %mul3A_241 : i32
        %jit3A_243 = arith.constant 6 : i32
        %div3A_244 = arith.divsi %select_n3A_181, %jit3A_243 : i32
        %sign3A_245 = arith.constant 0 : i32
        %sign3A_246 = arith.cmpi sgt, %select_n3A_181, %sign3A_245 : i32
        %sign3A_247 = arith.extui %sign3A_246 : i1 to i32
        %sign3A_248 = arith.constant 0 : i32
        %sign3A_249 = arith.cmpi slt, %select_n3A_181, %sign3A_248 : i32
        %sign3A_250 = arith.extui %sign3A_249 : i1 to i32
        %sign3A_251 = arith.subi %sign3A_247, %sign3A_250 : i32
        %sign3A_252 = arith.constant 0 : i32
        %sign3A_253 = arith.cmpi sgt, %jit3A_243, %sign3A_252 : i32
        %sign3A_254 = arith.extui %sign3A_253 : i1 to i32
        %sign3A_255 = arith.constant 0 : i32
        %sign3A_256 = arith.cmpi slt, %jit3A_243, %sign3A_255 : i32
        %sign3A_257 = arith.extui %sign3A_256 : i1 to i32
        %sign3A_258 = arith.subi %sign3A_254, %sign3A_257 : i32
        %ne3A_259 = arith.cmpi ne, %sign3A_251, %sign3A_258 : i32
        %rem3A_260 = arith.remsi %select_n3A_181, %jit3A_243 : i32
        %ne3A_261 = arith.constant 0 : i32
        %ne3A_262 = arith.cmpi ne, %rem3A_260, %ne3A_261 : i32
        %and3A_263 = arith.andi %ne3A_259, %ne3A_262 : i1
        %sub3A_264 = arith.constant 1 : i32
        %sub3A_265 = arith.subi %div3A_244, %sub3A_264 : i32
        %select_n3A_266 = arith.select %and3A_263, %sub3A_265, %div3A_244 : i32
        %mul3A_267 = arith.constant 6 : i32
        %mul3A_268 = arith.muli %select_n3A_266, %mul3A_267 : i32
        %sub3A_269 = arith.subi %select_n3A_181, %mul3A_268 : i32
        %dma_start3A = arith.constant 0 : i32
        %dma_start3A_270 = tpu.memref_slice %arg9[%mul3A_240, %dma_start3A] : memref<768x128xf32, #tpu.memory_space<vmem>> -> memref<128x128xf32, #tpu.memory_space<vmem>>
        %dma_start3A_271 = tpu.memref_slice %arg7[%mul3A_242] : memref<4096xi32, #tpu.memory_space<vmem>> -> memref<128xi32, #tpu.memory_space<vmem>>
        %dma_start3A_272 = arith.constant 0 : i32
        %dma_start3A_273 = arith.constant 0 : i32
        %dma_start3A_274 = tpu.memref_slice %arg2[%dma_start3A_272, %dma_start3A_273] : memref<100000x128xf32, #tpu.memory_space<hbm>> -> memref<100000x128xf32, #tpu.memory_space<hbm>>
        %dma_start3A_275 = tpu.memref_slice %arg13[%sub3A_269] : memref<6x!tpu.dma_semaphore, #tpu.memory_space<semaphore_mem>> -> memref<1x!tpu.dma_semaphore, #tpu.memory_space<semaphore_mem>>
        %dma_start3A_276 = tpu.memref_squeeze %dma_start3A_275 : memref<1x!tpu.dma_semaphore, #tpu.memory_space<semaphore_mem>> -> memref<!tpu.dma_semaphore, #tpu.memory_space<semaphore_mem>>
        tpu.enqueue_indirect_dma source(%dma_start3A_274 : memref<100000x128xf32, #tpu.memory_space<hbm>>) target(%dma_start3A_270 : memref<128x128xf32, #tpu.memory_space<vmem>>) offsets(%dma_start3A_271 : memref<128xi32, #tpu.memory_space<vmem>>) semaphore(%dma_start3A_276 : memref<!tpu.dma_semaphore, #tpu.memory_space<semaphore_mem>>)
      } else {
      }
      scf.yield %scan3A_136#0, %scan3A_136#1 : i32, i32
    }
    %scan3A_11 = arith.constant 128 : i32
    %add3A_12 = arith.constant 127 : i32
    %add3A_13 = arith.addi %scan3A_10#0, %add3A_12 : i32
    %jit3A = arith.constant 128 : i32
    %div3A = arith.divsi %add3A_13, %jit3A : i32
    %sign3A = arith.constant 0 : i32
    %sign3A_14 = arith.cmpi sgt, %add3A_13, %sign3A : i32
    %sign3A_15 = arith.extui %sign3A_14 : i1 to i32
    %sign3A_16 = arith.constant 0 : i32
    %sign3A_17 = arith.cmpi slt, %add3A_13, %sign3A_16 : i32
    %sign3A_18 = arith.extui %sign3A_17 : i1 to i32
    %sign3A_19 = arith.subi %sign3A_15, %sign3A_18 : i32
    %sign3A_20 = arith.constant 0 : i32
    %sign3A_21 = arith.cmpi sgt, %jit3A, %sign3A_20 : i32
    %sign3A_22 = arith.extui %sign3A_21 : i1 to i32
    %sign3A_23 = arith.constant 0 : i32
    %sign3A_24 = arith.cmpi slt, %jit3A, %sign3A_23 : i32
    %sign3A_25 = arith.extui %sign3A_24 : i1 to i32
    %sign3A_26 = arith.subi %sign3A_22, %sign3A_25 : i32
    %ne3A = arith.cmpi ne, %sign3A_19, %sign3A_26 : i32
    %rem3A = arith.remsi %add3A_13, %jit3A : i32
    %ne3A_27 = arith.constant 0 : i32
    %ne3A_28 = arith.cmpi ne, %rem3A, %ne3A_27 : i32
    %and3A = arith.andi %ne3A, %ne3A_28 : i1
    %sub3A = arith.constant 1 : i32
    %sub3A_29 = arith.subi %div3A, %sub3A : i32
    %select_n3A = arith.select %and3A, %sub3A_29, %div3A : i32
    %jit3A_30 = arith.constant 128 : i32
    %div3A_31 = arith.divsi %scan3A_10#0, %jit3A_30 : i32
    %sign3A_32 = arith.constant 0 : i32
    %sign3A_33 = arith.cmpi sgt, %scan3A_10#0, %sign3A_32 : i32
    %sign3A_34 = arith.extui %sign3A_33 : i1 to i32
    %sign3A_35 = arith.constant 0 : i32
    %sign3A_36 = arith.cmpi slt, %scan3A_10#0, %sign3A_35 : i32
    %sign3A_37 = arith.extui %sign3A_36 : i1 to i32
    %sign3A_38 = arith.subi %sign3A_34, %sign3A_37 : i32
    %sign3A_39 = arith.constant 0 : i32
    %sign3A_40 = arith.cmpi sgt, %jit3A_30, %sign3A_39 : i32
    %sign3A_41 = arith.extui %sign3A_40 : i1 to i32
    %sign3A_42 = arith.constant 0 : i32
    %sign3A_43 = arith.cmpi slt, %jit3A_30, %sign3A_42 : i32
    %sign3A_44 = arith.extui %sign3A_43 : i1 to i32
    %sign3A_45 = arith.subi %sign3A_41, %sign3A_44 : i32
    %ne3A_46 = arith.cmpi ne, %sign3A_38, %sign3A_45 : i32
    %rem3A_47 = arith.remsi %scan3A_10#0, %jit3A_30 : i32
    %ne3A_48 = arith.constant 0 : i32
    %ne3A_49 = arith.cmpi ne, %rem3A_47, %ne3A_48 : i32
    %and3A_50 = arith.andi %ne3A_46, %ne3A_49 : i1
    %sub3A_51 = arith.constant 1 : i32
    %sub3A_52 = arith.subi %div3A_31, %sub3A_51 : i32
    %select_n3A_53 = arith.select %and3A_50, %sub3A_52, %div3A_31 : i32
    %lt3A = arith.constant 4 : i32
    %lt3A_54 = arith.cmpi slt, %select_n3A_53, %lt3A : i32
    %lt3A_55 = arith.cmpi slt, %select_n3A_53, %select_n3A : i32
    %and3A_56 = arith.andi %lt3A_54, %lt3A_55 : i1
    %convert_element_type3A = arith.extui %and3A_56 : i1 to i32
    %cond3A = arith.constant 0 : i32
    %cond3A_57 = arith.cmpi ne, %convert_element_type3A, %cond3A : i32
    scf.if %cond3A_57 {
      %jit3A_129 = arith.constant 6 : i32
      %div3A_130 = arith.divsi %select_n3A_53, %jit3A_129 : i32
      %sign3A_131 = arith.constant 0 : i32
      %sign3A_132 = arith.cmpi sgt, %select_n3A_53, %sign3A_131 : i32
      %sign3A_133 = arith.extui %sign3A_132 : i1 to i32
      %sign3A_134 = arith.constant 0 : i32
      %sign3A_135 = arith.cmpi slt, %select_n3A_53, %sign3A_134 : i32
      %sign3A_136 = arith.extui %sign3A_135 : i1 to i32
      %sign3A_137 = arith.subi %sign3A_133, %sign3A_136 : i32
      %sign3A_138 = arith.constant 0 : i32
      %sign3A_139 = arith.cmpi sgt, %jit3A_129, %sign3A_138 : i32
      %sign3A_140 = arith.extui %sign3A_139 : i1 to i32
      %sign3A_141 = arith.constant 0 : i32
      %sign3A_142 = arith.cmpi slt, %jit3A_129, %sign3A_141 : i32
      %sign3A_143 = arith.extui %sign3A_142 : i1 to i32
      %sign3A_144 = arith.subi %sign3A_140, %sign3A_143 : i32
      %ne3A_145 = arith.cmpi ne, %sign3A_137, %sign3A_144 : i32
      %rem3A_146 = arith.remsi %select_n3A_53, %jit3A_129 : i32
      %ne3A_147 = arith.constant 0 : i32
      %ne3A_148 = arith.cmpi ne, %rem3A_146, %ne3A_147 : i32
      %and3A_149 = arith.andi %ne3A_145, %ne3A_148 : i1
      %sub3A_150 = arith.constant 1 : i32
      %sub3A_151 = arith.subi %div3A_130, %sub3A_150 : i32
      %select_n3A_152 = arith.select %and3A_149, %sub3A_151, %div3A_130 : i32
      %mul3A_153 = arith.constant 6 : i32
      %mul3A_154 = arith.muli %select_n3A_152, %mul3A_153 : i32
      %sub3A_155 = arith.subi %select_n3A_53, %mul3A_154 : i32
      %mul3A_156 = arith.constant 128 : i32
      %mul3A_157 = arith.muli %sub3A_155, %mul3A_156 : i32
      %mul3A_158 = arith.constant 128 : i32
      %mul3A_159 = arith.muli %select_n3A_53, %mul3A_158 : i32
      %jit3A_160 = arith.constant 6 : i32
      %div3A_161 = arith.divsi %select_n3A_53, %jit3A_160 : i32
      %sign3A_162 = arith.constant 0 : i32
      %sign3A_163 = arith.cmpi sgt, %select_n3A_53, %sign3A_162 : i32
      %sign3A_164 = arith.extui %sign3A_163 : i1 to i32
      %sign3A_165 = arith.constant 0 : i32
      %sign3A_166 = arith.cmpi slt, %select_n3A_53, %sign3A_165 : i32
      %sign3A_167 = arith.extui %sign3A_166 : i1 to i32
      %sign3A_168 = arith.subi %sign3A_164, %sign3A_167 : i32
      %sign3A_169 = arith.constant 0 : i32
      %sign3A_170 = arith.cmpi sgt, %jit3A_160, %sign3A_169 : i32
      %sign3A_171 = arith.extui %sign3A_170 : i1 to i32
      %sign3A_172 = arith.constant 0 : i32
      %sign3A_173 = arith.cmpi slt, %jit3A_160, %sign3A_172 : i32
      %sign3A_174 = arith.extui %sign3A_173 : i1 to i32
      %sign3A_175 = arith.subi %sign3A_171, %sign3A_174 : i32
      %ne3A_176 = arith.cmpi ne, %sign3A_168, %sign3A_175 : i32
      %rem3A_177 = arith.remsi %select_n3A_53, %jit3A_160 : i32
      %ne3A_178 = arith.constant 0 : i32
      %ne3A_179 = arith.cmpi ne, %rem3A_177, %ne3A_178 : i32
      %and3A_180 = arith.andi %ne3A_176, %ne3A_179 : i1
      %sub3A_181 = arith.constant 1 : i32
      %sub3A_182 = arith.subi %div3A_161, %sub3A_181 : i32
      %select_n3A_183 = arith.select %and3A_180, %sub3A_182, %div3A_161 : i32
      %mul3A_184 = arith.constant 6 : i32
      %mul3A_185 = arith.muli %select_n3A_183, %mul3A_184 : i32
      %sub3A_186 = arith.subi %select_n3A_53, %mul3A_185 : i32
      %dma_start3A = arith.constant 0 : i32
      %dma_start3A_187 = tpu.memref_slice %arg9[%mul3A_157, %dma_start3A] : memref<768x128xf32, #tpu.memory_space<vmem>> -> memref<128x128xf32, #tpu.memory_space<vmem>>
      %dma_start3A_188 = tpu.memref_slice %arg7[%mul3A_159] : memref<4096xi32, #tpu.memory_space<vmem>> -> memref<128xi32, #tpu.memory_space<vmem>>
      %dma_start3A_189 = arith.constant 0 : i32
      %dma_start3A_190 = arith.constant 0 : i32
      %dma_start3A_191 = tpu.memref_slice %arg2[%dma_start3A_189, %dma_start3A_190] : memref<100000x128xf32, #tpu.memory_space<hbm>> -> memref<100000x128xf32, #tpu.memory_space<hbm>>
      %dma_start3A_192 = tpu.memref_slice %arg13[%sub3A_186] : memref<6x!tpu.dma_semaphore, #tpu.memory_space<semaphore_mem>> -> memref<1x!tpu.dma_semaphore, #tpu.memory_space<semaphore_mem>>
      %dma_start3A_193 = tpu.memref_squeeze %dma_start3A_192 : memref<1x!tpu.dma_semaphore, #tpu.memory_space<semaphore_mem>> -> memref<!tpu.dma_semaphore, #tpu.memory_space<semaphore_mem>>
      tpu.enqueue_indirect_dma source(%dma_start3A_191 : memref<100000x128xf32, #tpu.memory_space<hbm>>) target(%dma_start3A_187 : memref<128x128xf32, #tpu.memory_space<vmem>>) offsets(%dma_start3A_188 : memref<128xi32, #tpu.memory_space<vmem>>) semaphore(%dma_start3A_193 : memref<!tpu.dma_semaphore, #tpu.memory_space<semaphore_mem>>)
    } else {
    }
    %get3A = arith.constant 0 : i32
    %get3A_58 = arith.index_cast %get3A : i32 to index
    %get3A_59 = arith.constant 0 : index
    %get3A_60 = tpu.vector_load %arg11[%get3A_58, %get3A_59] {strides = array<i32>} : memref<128x16xi32, #tpu.memory_space<vmem>>, vector<16xi32>,
    %slice3A = vector.extract_strided_slice %get3A_60 {offsets = [0], sizes = [1], strides = [1]} : vector<16xi32> to vector<1xi32>
    %squeeze3A = vector.extract %slice3A[0] : i32 from vector<1xi32>
    %max3A = arith.constant 1 : i32
    %max3A_61 = arith.maxsi %select_n3A, %max3A : i32
    %while3A = arith.constant 0 : i32
    %while3A_62 = arith.constant 0 : i32
    %while3A_63 = arith.constant 0 : i32
    %while3A_64 = arith.subi %max3A_61, %while3A : i32
    %while3A_65 = arith.addi %while3A, %while3A_64 : i32
    %while3A_66 = arith.constant 1 : i32
    %while3A_67 = arith.divsi %while3A_64, %while3A_66 : i32
    %while3A_68 = arith.muli %while3A_67, %while3A_66 : i32
    %while3A_69 = arith.addi %while3A, %while3A_68 : i32
    %while3A_70 = arith.constant 1 : i32
    %while3A_71:3 = scf.for %while3A_129 = %while3A to %while3A_69 step %while3A_70 iter_args(%while3A_130 = %while3A_62, %while3A_131 = %while3A_63, %while3A_132 = %squeeze3A) -> (i32, i32, i32)  : i32 {
      %lt3A_133 = arith.cmpi slt, %while3A_129, %select_n3A : i32
      %convert_element_type3A_134 = arith.extui %lt3A_133 : i1 to i32
      %cond3A_135 = arith.constant 0 : i32
      %cond3A_136 = arith.cmpi ne, %convert_element_type3A_134, %cond3A_135 : i32
      scf.if %cond3A_136 {
        %jit3A_148 = arith.constant 6 : i32
        %div3A_149 = arith.divsi %while3A_129, %jit3A_148 : i32
        %sign3A_150 = arith.constant 0 : i32
        %sign3A_151 = arith.cmpi sgt, %while3A_129, %sign3A_150 : i32
        %sign3A_152 = arith.extui %sign3A_151 : i1 to i32
        %sign3A_153 = arith.constant 0 : i32
        %sign3A_154 = arith.cmpi slt, %while3A_129, %sign3A_153 : i32
        %sign3A_155 = arith.extui %sign3A_154 : i1 to i32
        %sign3A_156 = arith.subi %sign3A_152, %sign3A_155 : i32
        %sign3A_157 = arith.constant 0 : i32
        %sign3A_158 = arith.cmpi sgt, %jit3A_148, %sign3A_157 : i32
        %sign3A_159 = arith.extui %sign3A_158 : i1 to i32
        %sign3A_160 = arith.constant 0 : i32
        %sign3A_161 = arith.cmpi slt, %jit3A_148, %sign3A_160 : i32
        %sign3A_162 = arith.extui %sign3A_161 : i1 to i32
        %sign3A_163 = arith.subi %sign3A_159, %sign3A_162 : i32
        %ne3A_164 = arith.cmpi ne, %sign3A_156, %sign3A_163 : i32
        %rem3A_165 = arith.remsi %while3A_129, %jit3A_148 : i32
        %ne3A_166 = arith.constant 0 : i32
        %ne3A_167 = arith.cmpi ne, %rem3A_165, %ne3A_166 : i32
        %and3A_168 = arith.andi %ne3A_164, %ne3A_167 : i1
        %sub3A_169 = arith.constant 1 : i32
        %sub3A_170 = arith.subi %div3A_149, %sub3A_169 : i32
        %select_n3A_171 = arith.select %and3A_168, %sub3A_170, %div3A_149 : i32
        %mul3A_172 = arith.constant 6 : i32
        %mul3A_173 = arith.muli %select_n3A_171, %mul3A_172 : i32
        %sub3A_174 = arith.subi %while3A_129, %mul3A_173 : i32
        %mul3A_175 = arith.constant 128 : i32
        %mul3A_176 = arith.muli %sub3A_174, %mul3A_175 : i32
        %mul3A_177 = arith.constant 128 : i32
        %mul3A_178 = arith.muli %while3A_129, %mul3A_177 : i32
        %jit3A_179 = arith.constant 6 : i32
        %div3A_180 = arith.divsi %while3A_129, %jit3A_179 : i32
        %sign3A_181 = arith.constant 0 : i32
        %sign3A_182 = arith.cmpi sgt, %while3A_129, %sign3A_181 : i32
        %sign3A_183 = arith.extui %sign3A_182 : i1 to i32
        %sign3A_184 = arith.constant 0 : i32
        %sign3A_185 = arith.cmpi slt, %while3A_129, %sign3A_184 : i32
        %sign3A_186 = arith.extui %sign3A_185 : i1 to i32
        %sign3A_187 = arith.subi %sign3A_183, %sign3A_186 : i32
        %sign3A_188 = arith.constant 0 : i32
        %sign3A_189 = arith.cmpi sgt, %jit3A_179, %sign3A_188 : i32
        %sign3A_190 = arith.extui %sign3A_189 : i1 to i32
        %sign3A_191 = arith.constant 0 : i32
        %sign3A_192 = arith.cmpi slt, %jit3A_179, %sign3A_191 : i32
        %sign3A_193 = arith.extui %sign3A_192 : i1 to i32
        %sign3A_194 = arith.subi %sign3A_190, %sign3A_193 : i32
        %ne3A_195 = arith.cmpi ne, %sign3A_187, %sign3A_194 : i32
        %rem3A_196 = arith.remsi %while3A_129, %jit3A_179 : i32
        %ne3A_197 = arith.constant 0 : i32
        %ne3A_198 = arith.cmpi ne, %rem3A_196, %ne3A_197 : i32
        %and3A_199 = arith.andi %ne3A_195, %ne3A_198 : i1
        %sub3A_200 = arith.constant 1 : i32
        %sub3A_201 = arith.subi %div3A_180, %sub3A_200 : i32
        %select_n3A_202 = arith.select %and3A_199, %sub3A_201, %div3A_180 : i32
        %mul3A_203 = arith.constant 6 : i32
        %mul3A_204 = arith.muli %select_n3A_202, %mul3A_203 : i32
        %sub3A_205 = arith.subi %while3A_129, %mul3A_204 : i32
        %dma_wait3A_206 = arith.constant 0 : i32
        %dma_wait3A_207 = tpu.memref_slice %arg9[%mul3A_176, %dma_wait3A_206] : memref<768x128xf32, #tpu.memory_space<vmem>> -> memref<128x128xf32, #tpu.memory_space<vmem>>
        %dma_wait3A_208 = tpu.memref_slice %arg7[%mul3A_178] : memref<4096xi32, #tpu.memory_space<vmem>> -> memref<128xi32, #tpu.memory_space<vmem>>
        %dma_wait3A_209 = arith.constant 0 : i32
        %dma_wait3A_210 = arith.constant 0 : i32
        %dma_wait3A_211 = tpu.memref_slice %arg2[%dma_wait3A_209, %dma_wait3A_210] : memref<100000x128xf32, #tpu.memory_space<hbm>> -> memref<100000x128xf32, #tpu.memory_space<hbm>>
        %dma_wait3A_212 = tpu.memref_slice %arg13[%sub3A_205] : memref<6x!tpu.dma_semaphore, #tpu.memory_space<semaphore_mem>> -> memref<1x!tpu.dma_semaphore, #tpu.memory_space<semaphore_mem>>
        %dma_wait3A_213 = tpu.memref_squeeze %dma_wait3A_212 : memref<1x!tpu.dma_semaphore, #tpu.memory_space<semaphore_mem>> -> memref<!tpu.dma_semaphore, #tpu.memory_space<semaphore_mem>>
        tpu.wait_indirect_dma semaphore(%dma_wait3A_213 : memref<!tpu.dma_semaphore, #tpu.memory_space<semaphore_mem>>) src(%dma_wait3A_211 : memref<100000x128xf32, #tpu.memory_space<hbm>>) dst(%dma_wait3A_207 : memref<128x128xf32, #tpu.memory_space<vmem>>)
      } else {
      }
      %add3A_137 = arith.constant 4 : i32
      %add3A_138 = arith.addi %while3A_129, %add3A_137 : i32
      %lt3A_139 = arith.cmpi slt, %add3A_138, %select_n3A : i32
      %convert_element_type3A_140 = arith.extui %lt3A_139 : i1 to i32
      %cond3A_141 = arith.constant 0 : i32
      %cond3A_142 = arith.cmpi ne, %convert_element_type3A_140, %cond3A_141 : i32
      scf.if %cond3A_142 {
        %add3A_148 = arith.constant 4 : i32
        %add3A_149 = arith.addi %while3A_129, %add3A_148 : i32
        %jit3A_150 = arith.constant 6 : i32
        %div3A_151 = arith.divsi %add3A_149, %jit3A_150 : i32
        %sign3A_152 = arith.constant 0 : i32
        %sign3A_153 = arith.cmpi sgt, %add3A_149, %sign3A_152 : i32
        %sign3A_154 = arith.extui %sign3A_153 : i1 to i32
        %sign3A_155 = arith.constant 0 : i32
        %sign3A_156 = arith.cmpi slt, %add3A_149, %sign3A_155 : i32
        %sign3A_157 = arith.extui %sign3A_156 : i1 to i32
        %sign3A_158 = arith.subi %sign3A_154, %sign3A_157 : i32
        %sign3A_159 = arith.constant 0 : i32
        %sign3A_160 = arith.cmpi sgt, %jit3A_150, %sign3A_159 : i32
        %sign3A_161 = arith.extui %sign3A_160 : i1 to i32
        %sign3A_162 = arith.constant 0 : i32
        %sign3A_163 = arith.cmpi slt, %jit3A_150, %sign3A_162 : i32
        %sign3A_164 = arith.extui %sign3A_163 : i1 to i32
        %sign3A_165 = arith.subi %sign3A_161, %sign3A_164 : i32
        %ne3A_166 = arith.cmpi ne, %sign3A_158, %sign3A_165 : i32
        %rem3A_167 = arith.remsi %add3A_149, %jit3A_150 : i32
        %ne3A_168 = arith.constant 0 : i32
        %ne3A_169 = arith.cmpi ne, %rem3A_167, %ne3A_168 : i32
        %and3A_170 = arith.andi %ne3A_166, %ne3A_169 : i1
        %sub3A_171 = arith.constant 1 : i32
        %sub3A_172 = arith.subi %div3A_151, %sub3A_171 : i32
        %select_n3A_173 = arith.select %and3A_170, %sub3A_172, %div3A_151 : i32
        %mul3A_174 = arith.constant 6 : i32
        %mul3A_175 = arith.muli %select_n3A_173, %mul3A_174 : i32
        %sub3A_176 = arith.subi %add3A_149, %mul3A_175 : i32
        %mul3A_177 = arith.constant 128 : i32
        %mul3A_178 = arith.muli %sub3A_176, %mul3A_177 : i32
        %mul3A_179 = arith.constant 128 : i32
        %mul3A_180 = arith.muli %add3A_149, %mul3A_179 : i32
        %jit3A_181 = arith.constant 6 : i32
        %div3A_182 = arith.divsi %add3A_149, %jit3A_181 : i32
        %sign3A_183 = arith.constant 0 : i32
        %sign3A_184 = arith.cmpi sgt, %add3A_149, %sign3A_183 : i32
        %sign3A_185 = arith.extui %sign3A_184 : i1 to i32
        %sign3A_186 = arith.constant 0 : i32
        %sign3A_187 = arith.cmpi slt, %add3A_149, %sign3A_186 : i32
        %sign3A_188 = arith.extui %sign3A_187 : i1 to i32
        %sign3A_189 = arith.subi %sign3A_185, %sign3A_188 : i32
        %sign3A_190 = arith.constant 0 : i32
        %sign3A_191 = arith.cmpi sgt, %jit3A_181, %sign3A_190 : i32
        %sign3A_192 = arith.extui %sign3A_191 : i1 to i32
        %sign3A_193 = arith.constant 0 : i32
        %sign3A_194 = arith.cmpi slt, %jit3A_181, %sign3A_193 : i32
        %sign3A_195 = arith.extui %sign3A_194 : i1 to i32
        %sign3A_196 = arith.subi %sign3A_192, %sign3A_195 : i32
        %ne3A_197 = arith.cmpi ne, %sign3A_189, %sign3A_196 : i32
        %rem3A_198 = arith.remsi %add3A_149, %jit3A_181 : i32
        %ne3A_199 = arith.constant 0 : i32
        %ne3A_200 = arith.cmpi ne, %rem3A_198, %ne3A_199 : i32
        %and3A_201 = arith.andi %ne3A_197, %ne3A_200 : i1
        %sub3A_202 = arith.constant 1 : i32
        %sub3A_203 = arith.subi %div3A_182, %sub3A_202 : i32
        %select_n3A_204 = arith.select %and3A_201, %sub3A_203, %div3A_182 : i32
        %mul3A_205 = arith.constant 6 : i32
        %mul3A_206 = arith.muli %select_n3A_204, %mul3A_205 : i32
        %sub3A_207 = arith.subi %add3A_149, %mul3A_206 : i32
        %dma_start3A = arith.constant 0 : i32
        %dma_start3A_208 = tpu.memref_slice %arg9[%mul3A_178, %dma_start3A] : memref<768x128xf32, #tpu.memory_space<vmem>> -> memref<128x128xf32, #tpu.memory_space<vmem>>
        %dma_start3A_209 = tpu.memref_slice %arg7[%mul3A_180] : memref<4096xi32, #tpu.memory_space<vmem>> -> memref<128xi32, #tpu.memory_space<vmem>>
        %dma_start3A_210 = arith.constant 0 : i32
        %dma_start3A_211 = arith.constant 0 : i32
        %dma_start3A_212 = tpu.memref_slice %arg2[%dma_start3A_210, %dma_start3A_211] : memref<100000x128xf32, #tpu.memory_space<hbm>> -> memref<100000x128xf32, #tpu.memory_space<hbm>>
        %dma_start3A_213 = tpu.memref_slice %arg13[%sub3A_207] : memref<6x!tpu.dma_semaphore, #tpu.memory_space<semaphore_mem>> -> memref<1x!tpu.dma_semaphore, #tpu.memory_space<semaphore_mem>>
        %dma_start3A_214 = tpu.memref_squeeze %dma_start3A_213 : memref<1x!tpu.dma_semaphore, #tpu.memory_space<semaphore_mem>> -> memref<!tpu.dma_semaphore, #tpu.memory_space<semaphore_mem>>
        tpu.enqueue_indirect_dma source(%dma_start3A_212 : memref<100000x128xf32, #tpu.memory_space<hbm>>) target(%dma_start3A_208 : memref<128x128xf32, #tpu.memory_space<vmem>>) offsets(%dma_start3A_209 : memref<128xi32, #tpu.memory_space<vmem>>) semaphore(%dma_start3A_214 : memref<!tpu.dma_semaphore, #tpu.memory_space<semaphore_mem>>)
      } else {
      }
      %add3A_143 = arith.constant 1 : i32
      %add3A_144 = arith.addi %while3A_129, %add3A_143 : i32
      %mul3A_145 = arith.constant 128 : i32
      %mul3A_146 = arith.muli %add3A_144, %mul3A_145 : i32
      %while3A_147:3 = scf.while (%while3A_148 = %while3A_130, %while3A_149 = %while3A_131, %while3A_150 = %while3A_132) : (i32, i32, i32) -> (i32, i32, i32) {
        %lt3A_151 = arith.constant 128 : i32
        %lt3A_152 = arith.cmpi slt, %while3A_148, %lt3A_151 : i32
        %le3A = arith.cmpi sle, %while3A_150, %mul3A_146 : i32
        %and3A_153 = arith.andi %lt3A_152, %le3A : i1
        scf.condition(%and3A_153) %while3A_148, %while3A_149, %while3A_150 : i32, i32, i32
      } do {
      ^bb0(%while3A_148: i32, %while3A_149: i32, %while3A_150: i32):
        %jit3A_151 = arith.constant 768 : i32
        %div3A_152 = arith.divsi %while3A_149, %jit3A_151 : i32
        %sign3A_153 = arith.constant 0 : i32
        %sign3A_154 = arith.cmpi sgt, %while3A_149, %sign3A_153 : i32
        %sign3A_155 = arith.extui %sign3A_154 : i1 to i32
        %sign3A_156 = arith.constant 0 : i32
        %sign3A_157 = arith.cmpi slt, %while3A_149, %sign3A_156 : i32
        %sign3A_158 = arith.extui %sign3A_157 : i1 to i32
        %sign3A_159 = arith.subi %sign3A_155, %sign3A_158 : i32
        %sign3A_160 = arith.constant 0 : i32
        %sign3A_161 = arith.cmpi sgt, %jit3A_151, %sign3A_160 : i32
        %sign3A_162 = arith.extui %sign3A_161 : i1 to i32
        %sign3A_163 = arith.constant 0 : i32
        %sign3A_164 = arith.cmpi slt, %jit3A_151, %sign3A_163 : i32
        %sign3A_165 = arith.extui %sign3A_164 : i1 to i32
        %sign3A_166 = arith.subi %sign3A_162, %sign3A_165 : i32
        %ne3A_167 = arith.cmpi ne, %sign3A_159, %sign3A_166 : i32
        %rem3A_168 = arith.remsi %while3A_149, %jit3A_151 : i32
        %ne3A_169 = arith.constant 0 : i32
        %ne3A_170 = arith.cmpi ne, %rem3A_168, %ne3A_169 : i32
        %and3A_171 = arith.andi %ne3A_167, %ne3A_170 : i1
        %sub3A_172 = arith.constant 1 : i32
        %sub3A_173 = arith.subi %div3A_152, %sub3A_172 : i32
        %select_n3A_174 = arith.select %and3A_171, %sub3A_173, %div3A_152 : i32
        %mul3A_175 = arith.constant 768 : i32
        %mul3A_176 = arith.muli %select_n3A_174, %mul3A_175 : i32
        %sub3A_177 = arith.subi %while3A_149, %mul3A_176 : i32
        %broadcast_in_dim3A = arith.constant 0.000000e+00 : f32
        %broadcast_in_dim3A_178 = vector.broadcast %broadcast_in_dim3A : f32 to vector<16xf32>
        %broadcast_in_dim3A_179 = arith.constant 0.000000e+00 : f32
        %broadcast_in_dim3A_180 = vector.broadcast %broadcast_in_dim3A_179 : f32 to vector<16xf32>
        %broadcast_in_dim3A_181 = arith.constant 0.000000e+00 : f32
        %broadcast_in_dim3A_182 = vector.broadcast %broadcast_in_dim3A_181 : f32 to vector<16xf32>
        %broadcast_in_dim3A_183 = arith.constant 0.000000e+00 : f32
        %broadcast_in_dim3A_184 = vector.broadcast %broadcast_in_dim3A_183 : f32 to vector<16xf32>
        %broadcast_in_dim3A_185 = arith.constant 0.000000e+00 : f32
        %broadcast_in_dim3A_186 = vector.broadcast %broadcast_in_dim3A_185 : f32 to vector<16xf32>
        %broadcast_in_dim3A_187 = arith.constant 0.000000e+00 : f32
        %broadcast_in_dim3A_188 = vector.broadcast %broadcast_in_dim3A_187 : f32 to vector<16xf32>
        %broadcast_in_dim3A_189 = arith.constant 0.000000e+00 : f32
        %broadcast_in_dim3A_190 = vector.broadcast %broadcast_in_dim3A_189 : f32 to vector<16xf32>
        %broadcast_in_dim3A_191 = arith.constant 0.000000e+00 : f32
        %broadcast_in_dim3A_192 = vector.broadcast %broadcast_in_dim3A_191 : f32 to vector<16xf32>
        %while3A_193 = arith.subi %while3A_150, %while3A_149 : i32
        %while3A_194 = arith.addi %while3A_149, %while3A_193 : i32
        %while3A_195 = arith.constant 1 : i32
        %while3A_196 = arith.divsi %while3A_193, %while3A_195 : i32
        %while3A_197 = arith.muli %while3A_196, %while3A_195 : i32
        %while3A_198 = arith.addi %while3A_149, %while3A_197 : i32
        %while3A_199 = arith.constant 1 : i32
        %while3A_200:9 = scf.for %while3A_253 = %while3A_149 to %while3A_198 step %while3A_199 iter_args(%while3A_254 = %broadcast_in_dim3A_178, %while3A_255 = %broadcast_in_dim3A_180, %while3A_256 = %broadcast_in_dim3A_182, %while3A_257 = %broadcast_in_dim3A_184, %while3A_258 = %broadcast_in_dim3A_186, %while3A_259 = %broadcast_in_dim3A_188, %while3A_260 = %broadcast_in_dim3A_190, %while3A_261 = %broadcast_in_dim3A_192, %while3A_262 = %sub3A_177) -> (vector<16xf32>, vector<16xf32>, vector<16xf32>, vector<16xf32>, vector<16xf32>, vector<16xf32>, vector<16xf32>, vector<16xf32>, i32)  : i32 {
          %get3A_263 = arith.index_cast %while3A_262 : i32 to index
          %get3A_264 = arith.constant 0 : index
          %get3A_265 = tpu.vector_load %arg9[%get3A_263, %get3A_264] {strides = array<i32>} : memref<768x128xf32, #tpu.memory_space<vmem>>, vector<16xf32>,
          %add3A_266 = arith.addf %while3A_254, %get3A_265 : vector<16xf32>
          %get3A_267 = arith.index_cast %while3A_262 : i32 to index
          %get3A_268 = arith.constant 16 : index
          %get3A_269 = tpu.vector_load %arg9[%get3A_267, %get3A_268] {strides = array<i32>} : memref<768x128xf32, #tpu.memory_space<vmem>>, vector<16xf32>,
          %add3A_270 = arith.addf %while3A_255, %get3A_269 : vector<16xf32>
          %get3A_271 = arith.index_cast %while3A_262 : i32 to index
          %get3A_272 = arith.constant 32 : index
          %get3A_273 = tpu.vector_load %arg9[%get3A_271, %get3A_272] {strides = array<i32>} : memref<768x128xf32, #tpu.memory_space<vmem>>, vector<16xf32>,
          %add3A_274 = arith.addf %while3A_256, %get3A_273 : vector<16xf32>
          %get3A_275 = arith.index_cast %while3A_262 : i32 to index
          %get3A_276 = arith.constant 48 : index
          %get3A_277 = tpu.vector_load %arg9[%get3A_275, %get3A_276] {strides = array<i32>} : memref<768x128xf32, #tpu.memory_space<vmem>>, vector<16xf32>,
          %add3A_278 = arith.addf %while3A_257, %get3A_277 : vector<16xf32>
          %get3A_279 = arith.index_cast %while3A_262 : i32 to index
          %get3A_280 = arith.constant 64 : index
          %get3A_281 = tpu.vector_load %arg9[%get3A_279, %get3A_280] {strides = array<i32>} : memref<768x128xf32, #tpu.memory_space<vmem>>, vector<16xf32>,
          %add3A_282 = arith.addf %while3A_258, %get3A_281 : vector<16xf32>
          %get3A_283 = arith.index_cast %while3A_262 : i32 to index
          %get3A_284 = arith.constant 80 : index
          %get3A_285 = tpu.vector_load %arg9[%get3A_283, %get3A_284] {strides = array<i32>} : memref<768x128xf32, #tpu.memory_space<vmem>>, vector<16xf32>,
          %add3A_286 = arith.addf %while3A_259, %get3A_285 : vector<16xf32>
          %get3A_287 = arith.index_cast %while3A_262 : i32 to index
          %get3A_288 = arith.constant 96 : index
          %get3A_289 = tpu.vector_load %arg9[%get3A_287, %get3A_288] {strides = array<i32>} : memref<768x128xf32, #tpu.memory_space<vmem>>, vector<16xf32>,
          %add3A_290 = arith.addf %while3A_260, %get3A_289 : vector<16xf32>
          %get3A_291 = arith.index_cast %while3A_262 : i32 to index
          %get3A_292 = arith.constant 112 : index
          %get3A_293 = tpu.vector_load %arg9[%get3A_291, %get3A_292] {strides = array<i32>} : memref<768x128xf32, #tpu.memory_space<vmem>>, vector<16xf32>,
          %add3A_294 = arith.addf %while3A_261, %get3A_293 : vector<16xf32>
          %add3A_295 = arith.constant 1 : i32
          %add3A_296 = arith.addi %while3A_262, %add3A_295 : i32
          %eq3A_297 = arith.constant 768 : i32
          %eq3A_298 = arith.cmpi eq, %add3A_296, %eq3A_297 : i32
          %jit3A_299 = arith.constant 0 : i32
          %select_n3A_300 = arith.select %eq3A_298, %jit3A_299, %add3A_296 : i32
          scf.yield %add3A_266, %add3A_270, %add3A_274, %add3A_278, %add3A_282, %add3A_286, %add3A_290, %add3A_294, %select_n3A_300 : vector<16xf32>, vector<16xf32>, vector<16xf32>, vector<16xf32>, vector<16xf32>, vector<16xf32>, vector<16xf32>, vector<16xf32>, i32
        }
        %while3A_201 = arith.constant 1 : i32
        %while3A_202:9 = scf.for %while3A_253 = %while3A_198 to %while3A_194 step %while3A_201 iter_args(%while3A_254 = %while3A_200#0, %while3A_255 = %while3A_200#1, %while3A_256 = %while3A_200#2, %while3A_257 = %while3A_200#3, %while3A_258 = %while3A_200#4, %while3A_259 = %while3A_200#5, %while3A_260 = %while3A_200#6, %while3A_261 = %while3A_200#7, %while3A_262 = %while3A_200#8) -> (vector<16xf32>, vector<16xf32>, vector<16xf32>, vector<16xf32>, vector<16xf32>, vector<16xf32>, vector<16xf32>, vector<16xf32>, i32)  : i32 {
          %get3A_263 = arith.index_cast %while3A_262 : i32 to index
          %get3A_264 = arith.constant 0 : index
          %get3A_265 = tpu.vector_load %arg9[%get3A_263, %get3A_264] {strides = array<i32>} : memref<768x128xf32, #tpu.memory_space<vmem>>, vector<16xf32>,
          %add3A_266 = arith.addf %while3A_254, %get3A_265 : vector<16xf32>
          %get3A_267 = arith.index_cast %while3A_262 : i32 to index
          %get3A_268 = arith.constant 16 : index
          %get3A_269 = tpu.vector_load %arg9[%get3A_267, %get3A_268] {strides = array<i32>} : memref<768x128xf32, #tpu.memory_space<vmem>>, vector<16xf32>,
          %add3A_270 = arith.addf %while3A_255, %get3A_269 : vector<16xf32>
          %get3A_271 = arith.index_cast %while3A_262 : i32 to index
          %get3A_272 = arith.constant 32 : index
          %get3A_273 = tpu.vector_load %arg9[%get3A_271, %get3A_272] {strides = array<i32>} : memref<768x128xf32, #tpu.memory_space<vmem>>, vector<16xf32>,
          %add3A_274 = arith.addf %while3A_256, %get3A_273 : vector<16xf32>
          %get3A_275 = arith.index_cast %while3A_262 : i32 to index
          %get3A_276 = arith.constant 48 : index
          %get3A_277 = tpu.vector_load %arg9[%get3A_275, %get3A_276] {strides = array<i32>} : memref<768x128xf32, #tpu.memory_space<vmem>>, vector<16xf32>,
          %add3A_278 = arith.addf %while3A_257, %get3A_277 : vector<16xf32>
          %get3A_279 = arith.index_cast %while3A_262 : i32 to index
          %get3A_280 = arith.constant 64 : index
          %get3A_281 = tpu.vector_load %arg9[%get3A_279, %get3A_280] {strides = array<i32>} : memref<768x128xf32, #tpu.memory_space<vmem>>, vector<16xf32>,
          %add3A_282 = arith.addf %while3A_258, %get3A_281 : vector<16xf32>
          %get3A_283 = arith.index_cast %while3A_262 : i32 to index
          %get3A_284 = arith.constant 80 : index
          %get3A_285 = tpu.vector_load %arg9[%get3A_283, %get3A_284] {strides = array<i32>} : memref<768x128xf32, #tpu.memory_space<vmem>>, vector<16xf32>,
          %add3A_286 = arith.addf %while3A_259, %get3A_285 : vector<16xf32>
          %get3A_287 = arith.index_cast %while3A_262 : i32 to index
          %get3A_288 = arith.constant 96 : index
          %get3A_289 = tpu.vector_load %arg9[%get3A_287, %get3A_288] {strides = array<i32>} : memref<768x128xf32, #tpu.memory_space<vmem>>, vector<16xf32>,
          %add3A_290 = arith.addf %while3A_260, %get3A_289 : vector<16xf32>
          %get3A_291 = arith.index_cast %while3A_262 : i32 to index
          %get3A_292 = arith.constant 112 : index
          %get3A_293 = tpu.vector_load %arg9[%get3A_291, %get3A_292] {strides = array<i32>} : memref<768x128xf32, #tpu.memory_space<vmem>>, vector<16xf32>,
          %add3A_294 = arith.addf %while3A_261, %get3A_293 : vector<16xf32>
          %add3A_295 = arith.constant 1 : i32
          %add3A_296 = arith.addi %while3A_262, %add3A_295 : i32
          %eq3A_297 = arith.constant 768 : i32
          %eq3A_298 = arith.cmpi eq, %add3A_296, %eq3A_297 : i32
          %jit3A_299 = arith.constant 0 : i32
          %select_n3A_300 = arith.select %eq3A_298, %jit3A_299, %add3A_296 : i32
          scf.yield %add3A_266, %add3A_270, %add3A_274, %add3A_278, %add3A_282, %add3A_286, %add3A_290, %add3A_294, %select_n3A_300 : vector<16xf32>, vector<16xf32>, vector<16xf32>, vector<16xf32>, vector<16xf32>, vector<16xf32>, vector<16xf32>, vector<16xf32>, i32
        }
        %get3A_203 = arith.index_cast %while3A_148 : i32 to index
        %get3A_204 = arith.constant 0 : index
        %get3A_205 = tpu.vector_load %arg12[%get3A_203, %get3A_204] {strides = array<i32>} : memref<128x16xf32, #tpu.memory_space<vmem>>, vector<16xf32>,
        %mul3A_206 = arith.mulf %while3A_202#0, %get3A_205 : vector<16xf32>
        %swap3A = arith.index_cast %while3A_148 : i32 to index
        %swap3A_207 = arith.constant 0 : index
        %swap3A_208 = tpu.vector_load %arg10[%swap3A, %swap3A_207] {strides = array<i32>} : memref<128x128xf32, #tpu.memory_space<vmem>>, vector<16xf32>,
        tpu.vector_store %arg10[%swap3A, %swap3A_207], %mul3A_206 {strides = array<i32>} : memref<128x128xf32, #tpu.memory_space<vmem>>, vector<16xf32>,
        %mul3A_209 = arith.mulf %while3A_202#1, %get3A_205 : vector<16xf32>
        %swap3A_210 = arith.index_cast %while3A_148 : i32 to index
        %swap3A_211 = arith.constant 16 : index
        %swap3A_212 = tpu.vector_load %arg10[%swap3A_210, %swap3A_211] {strides = array<i32>} : memref<128x128xf32, #tpu.memory_space<vmem>>, vector<16xf32>,
        tpu.vector_store %arg10[%swap3A_210, %swap3A_211], %mul3A_209 {strides = array<i32>} : memref<128x128xf32, #tpu.memory_space<vmem>>, vector<16xf32>,
        %mul3A_213 = arith.mulf %while3A_202#2, %get3A_205 : vector<16xf32>
        %swap3A_214 = arith.index_cast %while3A_148 : i32 to index
        %swap3A_215 = arith.constant 32 : index
        %swap3A_216 = tpu.vector_load %arg10[%swap3A_214, %swap3A_215] {strides = array<i32>} : memref<128x128xf32, #tpu.memory_space<vmem>>, vector<16xf32>,
        tpu.vector_store %arg10[%swap3A_214, %swap3A_215], %mul3A_213 {strides = array<i32>} : memref<128x128xf32, #tpu.memory_space<vmem>>, vector<16xf32>,
        %mul3A_217 = arith.mulf %while3A_202#3, %get3A_205 : vector<16xf32>
        %swap3A_218 = arith.index_cast %while3A_148 : i32 to index
        %swap3A_219 = arith.constant 48 : index
        %swap3A_220 = tpu.vector_load %arg10[%swap3A_218, %swap3A_219] {strides = array<i32>} : memref<128x128xf32, #tpu.memory_space<vmem>>, vector<16xf32>,
        tpu.vector_store %arg10[%swap3A_218, %swap3A_219], %mul3A_217 {strides = array<i32>} : memref<128x128xf32, #tpu.memory_space<vmem>>, vector<16xf32>,
        %mul3A_221 = arith.mulf %while3A_202#4, %get3A_205 : vector<16xf32>
        %swap3A_222 = arith.index_cast %while3A_148 : i32 to index
        %swap3A_223 = arith.constant 64 : index
        %swap3A_224 = tpu.vector_load %arg10[%swap3A_222, %swap3A_223] {strides = array<i32>} : memref<128x128xf32, #tpu.memory_space<vmem>>, vector<16xf32>,
        tpu.vector_store %arg10[%swap3A_222, %swap3A_223], %mul3A_221 {strides = array<i32>} : memref<128x128xf32, #tpu.memory_space<vmem>>, vector<16xf32>,
        %mul3A_225 = arith.mulf %while3A_202#5, %get3A_205 : vector<16xf32>
        %swap3A_226 = arith.index_cast %while3A_148 : i32 to index
        %swap3A_227 = arith.constant 80 : index
        %swap3A_228 = tpu.vector_load %arg10[%swap3A_226, %swap3A_227] {strides = array<i32>} : memref<128x128xf32, #tpu.memory_space<vmem>>, vector<16xf32>,
        tpu.vector_store %arg10[%swap3A_226, %swap3A_227], %mul3A_225 {strides = array<i32>} : memref<128x128xf32, #tpu.memory_space<vmem>>, vector<16xf32>,
        %mul3A_229 = arith.mulf %while3A_202#6, %get3A_205 : vector<16xf32>
        %swap3A_230 = arith.index_cast %while3A_148 : i32 to index
        %swap3A_231 = arith.constant 96 : index
        %swap3A_232 = tpu.vector_load %arg10[%swap3A_230, %swap3A_231] {strides = array<i32>} : memref<128x128xf32, #tpu.memory_space<vmem>>, vector<16xf32>,
        tpu.vector_store %arg10[%swap3A_230, %swap3A_231], %mul3A_229 {strides = array<i32>} : memref<128x128xf32, #tpu.memory_space<vmem>>, vector<16xf32>,
        %mul3A_233 = arith.mulf %while3A_202#7, %get3A_205 : vector<16xf32>
        %swap3A_234 = arith.index_cast %while3A_148 : i32 to index
        %swap3A_235 = arith.constant 112 : index
        %swap3A_236 = tpu.vector_load %arg10[%swap3A_234, %swap3A_235] {strides = array<i32>} : memref<128x128xf32, #tpu.memory_space<vmem>>, vector<16xf32>,
        tpu.vector_store %arg10[%swap3A_234, %swap3A_235], %mul3A_233 {strides = array<i32>} : memref<128x128xf32, #tpu.memory_space<vmem>>, vector<16xf32>,
        %and3A_237 = arith.constant 31 : i32
        %and3A_238 = arith.andi %while3A_148, %and3A_237 : i32
        %eq3A = arith.constant 31 : i32
        %eq3A_239 = arith.cmpi eq, %and3A_238, %eq3A : i32
        %convert_element_type3A_240 = arith.extui %eq3A_239 : i1 to i32
        %cond3A_241 = arith.constant 0 : i32
        %cond3A_242 = arith.cmpi ne, %convert_element_type3A_240, %cond3A_241 : i32
        scf.if %cond3A_242 {
          %sub3A_253 = arith.constant 31 : i32
          %sub3A_254 = arith.subi %while3A_148, %sub3A_253 : i32
          %mul3A_255 = arith.constant 128 : i32
          %mul3A_256 = arith.muli %add3A, %mul3A_255 : i32
          %add3A_257 = arith.addi %mul3A_256, %sub3A_254 : i32
          %dma_start3A = arith.constant 0 : i32
          %dma_start3A_258 = tpu.memref_slice %arg10[%sub3A_254, %dma_start3A] : memref<128x128xf32, #tpu.memory_space<vmem>> -> memref<32x128xf32, #tpu.memory_space<vmem>>
          %dma_start3A_259 = arith.constant 0 : i32
          %dma_start3A_260 = tpu.memref_slice %arg5[%add3A_257, %dma_start3A_259] : memref<4096x128xf32, #tpu.memory_space<hbm>> -> memref<32x128xf32, #tpu.memory_space<hbm>>
          %dma_start3A_261 = arith.constant 0 : i32
          %dma_start3A_262 = tpu.memref_slice %arg5[%add3A_257, %dma_start3A_261] : memref<4096x128xf32, #tpu.memory_space<hbm>> -> memref<32x128xf32, #tpu.memory_space<hbm>>
          %dma_start3A_263 = arith.constant 0 : i32
          %dma_start3A_264 = tpu.memref_slice %arg10[%sub3A_254, %dma_start3A_263] : memref<128x128xf32, #tpu.memory_space<vmem>> -> memref<32x128xf32, #tpu.memory_space<vmem>>
          tpu.enqueue_dma source(%dma_start3A_264 : memref<32x128xf32, #tpu.memory_space<vmem>>) target(%dma_start3A_262 : memref<32x128xf32, #tpu.memory_space<hbm>>) target_semaphore(%arg14 : memref<!tpu.dma_semaphore, #tpu.memory_space<semaphore_mem>>)
        } else {
        }
        %add3A_243 = arith.constant 1 : i32
        %add3A_244 = arith.addi %while3A_148, %add3A_243 : i32
        %min3A = arith.constant 127 : i32
        %min3A_245 = arith.minsi %add3A_244, %min3A : i32
        %get3A_246 = arith.index_cast %min3A_245 : i32 to index
        %get3A_247 = arith.constant 0 : index
        %get3A_248 = tpu.vector_load %arg11[%get3A_246, %get3A_247] {strides = array<i32>} : memref<128x16xi32, #tpu.memory_space<vmem>>, vector<16xi32>,
        %slice3A_249 = vector.extract_strided_slice %get3A_248 {offsets = [0], sizes = [1], strides = [1]} : vector<16xi32> to vector<1xi32>
        %squeeze3A_250 = vector.extract %slice3A_249[0] : i32 from vector<1xi32>
        %add3A_251 = arith.constant 1 : i32
        %add3A_252 = arith.addi %while3A_148, %add3A_251 : i32
        scf.yield %add3A_252, %while3A_150, %squeeze3A_250 : i32, i32, i32
      }
      scf.yield %while3A_147#0, %while3A_147#1, %while3A_147#2 : i32, i32, i32
    }
    %while3A_72 = arith.constant 1 : i32
    %while3A_73:3 = scf.for %while3A_129 = %while3A_69 to %while3A_65 step %while3A_72 iter_args(%while3A_130 = %while3A_71#0, %while3A_131 = %while3A_71#1, %while3A_132 = %while3A_71#2) -> (i32, i32, i32)  : i32 {
      %lt3A_133 = arith.cmpi slt, %while3A_129, %select_n3A : i32
      %convert_element_type3A_134 = arith.extui %lt3A_133 : i1 to i32
      %cond3A_135 = arith.constant 0 : i32
      %cond3A_136 = arith.cmpi ne, %convert_element_type3A_134, %cond3A_135 : i32
      scf.if %cond3A_136 {
        %jit3A_148 = arith.constant 6 : i32
        %div3A_149 = arith.divsi %while3A_129, %jit3A_148 : i32
        %sign3A_150 = arith.constant 0 : i32
        %sign3A_151 = arith.cmpi sgt, %while3A_129, %sign3A_150 : i32
        %sign3A_152 = arith.extui %sign3A_151 : i1 to i32
        %sign3A_153 = arith.constant 0 : i32
        %sign3A_154 = arith.cmpi slt, %while3A_129, %sign3A_153 : i32
        %sign3A_155 = arith.extui %sign3A_154 : i1 to i32
        %sign3A_156 = arith.subi %sign3A_152, %sign3A_155 : i32
        %sign3A_157 = arith.constant 0 : i32
        %sign3A_158 = arith.cmpi sgt, %jit3A_148, %sign3A_157 : i32
        %sign3A_159 = arith.extui %sign3A_158 : i1 to i32
        %sign3A_160 = arith.constant 0 : i32
        %sign3A_161 = arith.cmpi slt, %jit3A_148, %sign3A_160 : i32
        %sign3A_162 = arith.extui %sign3A_161 : i1 to i32
        %sign3A_163 = arith.subi %sign3A_159, %sign3A_162 : i32
        %ne3A_164 = arith.cmpi ne, %sign3A_156, %sign3A_163 : i32
        %rem3A_165 = arith.remsi %while3A_129, %jit3A_148 : i32
        %ne3A_166 = arith.constant 0 : i32
        %ne3A_167 = arith.cmpi ne, %rem3A_165, %ne3A_166 : i32
        %and3A_168 = arith.andi %ne3A_164, %ne3A_167 : i1
        %sub3A_169 = arith.constant 1 : i32
        %sub3A_170 = arith.subi %div3A_149, %sub3A_169 : i32
        %select_n3A_171 = arith.select %and3A_168, %sub3A_170, %div3A_149 : i32
        %mul3A_172 = arith.constant 6 : i32
        %mul3A_173 = arith.muli %select_n3A_171, %mul3A_172 : i32
        %sub3A_174 = arith.subi %while3A_129, %mul3A_173 : i32
        %mul3A_175 = arith.constant 128 : i32
        %mul3A_176 = arith.muli %sub3A_174, %mul3A_175 : i32
        %mul3A_177 = arith.constant 128 : i32
        %mul3A_178 = arith.muli %while3A_129, %mul3A_177 : i32
        %jit3A_179 = arith.constant 6 : i32
        %div3A_180 = arith.divsi %while3A_129, %jit3A_179 : i32
        %sign3A_181 = arith.constant 0 : i32
        %sign3A_182 = arith.cmpi sgt, %while3A_129, %sign3A_181 : i32
        %sign3A_183 = arith.extui %sign3A_182 : i1 to i32
        %sign3A_184 = arith.constant 0 : i32
        %sign3A_185 = arith.cmpi slt, %while3A_129, %sign3A_184 : i32
        %sign3A_186 = arith.extui %sign3A_185 : i1 to i32
        %sign3A_187 = arith.subi %sign3A_183, %sign3A_186 : i32
        %sign3A_188 = arith.constant 0 : i32
        %sign3A_189 = arith.cmpi sgt, %jit3A_179, %sign3A_188 : i32
        %sign3A_190 = arith.extui %sign3A_189 : i1 to i32
        %sign3A_191 = arith.constant 0 : i32
        %sign3A_192 = arith.cmpi slt, %jit3A_179, %sign3A_191 : i32
        %sign3A_193 = arith.extui %sign3A_192 : i1 to i32
        %sign3A_194 = arith.subi %sign3A_190, %sign3A_193 : i32
        %ne3A_195 = arith.cmpi ne, %sign3A_187, %sign3A_194 : i32
        %rem3A_196 = arith.remsi %while3A_129, %jit3A_179 : i32
        %ne3A_197 = arith.constant 0 : i32
        %ne3A_198 = arith.cmpi ne, %rem3A_196, %ne3A_197 : i32
        %and3A_199 = arith.andi %ne3A_195, %ne3A_198 : i1
        %sub3A_200 = arith.constant 1 : i32
        %sub3A_201 = arith.subi %div3A_180, %sub3A_200 : i32
        %select_n3A_202 = arith.select %and3A_199, %sub3A_201, %div3A_180 : i32
        %mul3A_203 = arith.constant 6 : i32
        %mul3A_204 = arith.muli %select_n3A_202, %mul3A_203 : i32
        %sub3A_205 = arith.subi %while3A_129, %mul3A_204 : i32
        %dma_wait3A_206 = arith.constant 0 : i32
        %dma_wait3A_207 = tpu.memref_slice %arg9[%mul3A_176, %dma_wait3A_206] : memref<768x128xf32, #tpu.memory_space<vmem>> -> memref<128x128xf32, #tpu.memory_space<vmem>>
        %dma_wait3A_208 = tpu.memref_slice %arg7[%mul3A_178] : memref<4096xi32, #tpu.memory_space<vmem>> -> memref<128xi32, #tpu.memory_space<vmem>>
        %dma_wait3A_209 = arith.constant 0 : i32
        %dma_wait3A_210 = arith.constant 0 : i32
        %dma_wait3A_211 = tpu.memref_slice %arg2[%dma_wait3A_209, %dma_wait3A_210] : memref<100000x128xf32, #tpu.memory_space<hbm>> -> memref<100000x128xf32, #tpu.memory_space<hbm>>
        %dma_wait3A_212 = tpu.memref_slice %arg13[%sub3A_205] : memref<6x!tpu.dma_semaphore, #tpu.memory_space<semaphore_mem>> -> memref<1x!tpu.dma_semaphore, #tpu.memory_space<semaphore_mem>>
        %dma_wait3A_213 = tpu.memref_squeeze %dma_wait3A_212 : memref<1x!tpu.dma_semaphore, #tpu.memory_space<semaphore_mem>> -> memref<!tpu.dma_semaphore, #tpu.memory_space<semaphore_mem>>
        tpu.wait_indirect_dma semaphore(%dma_wait3A_213 : memref<!tpu.dma_semaphore, #tpu.memory_space<semaphore_mem>>) src(%dma_wait3A_211 : memref<100000x128xf32, #tpu.memory_space<hbm>>) dst(%dma_wait3A_207 : memref<128x128xf32, #tpu.memory_space<vmem>>)
      } else {
      }
      %add3A_137 = arith.constant 4 : i32
      %add3A_138 = arith.addi %while3A_129, %add3A_137 : i32
      %lt3A_139 = arith.cmpi slt, %add3A_138, %select_n3A : i32
      %convert_element_type3A_140 = arith.extui %lt3A_139 : i1 to i32
      %cond3A_141 = arith.constant 0 : i32
      %cond3A_142 = arith.cmpi ne, %convert_element_type3A_140, %cond3A_141 : i32
      scf.if %cond3A_142 {
        %add3A_148 = arith.constant 4 : i32
        %add3A_149 = arith.addi %while3A_129, %add3A_148 : i32
        %jit3A_150 = arith.constant 6 : i32
        %div3A_151 = arith.divsi %add3A_149, %jit3A_150 : i32
        %sign3A_152 = arith.constant 0 : i32
        %sign3A_153 = arith.cmpi sgt, %add3A_149, %sign3A_152 : i32
        %sign3A_154 = arith.extui %sign3A_153 : i1 to i32
        %sign3A_155 = arith.constant 0 : i32
        %sign3A_156 = arith.cmpi slt, %add3A_149, %sign3A_155 : i32
        %sign3A_157 = arith.extui %sign3A_156 : i1 to i32
        %sign3A_158 = arith.subi %sign3A_154, %sign3A_157 : i32
        %sign3A_159 = arith.constant 0 : i32
        %sign3A_160 = arith.cmpi sgt, %jit3A_150, %sign3A_159 : i32
        %sign3A_161 = arith.extui %sign3A_160 : i1 to i32
        %sign3A_162 = arith.constant 0 : i32
        %sign3A_163 = arith.cmpi slt, %jit3A_150, %sign3A_162 : i32
        %sign3A_164 = arith.extui %sign3A_163 : i1 to i32
        %sign3A_165 = arith.subi %sign3A_161, %sign3A_164 : i32
        %ne3A_166 = arith.cmpi ne, %sign3A_158, %sign3A_165 : i32
        %rem3A_167 = arith.remsi %add3A_149, %jit3A_150 : i32
        %ne3A_168 = arith.constant 0 : i32
        %ne3A_169 = arith.cmpi ne, %rem3A_167, %ne3A_168 : i32
        %and3A_170 = arith.andi %ne3A_166, %ne3A_169 : i1
        %sub3A_171 = arith.constant 1 : i32
        %sub3A_172 = arith.subi %div3A_151, %sub3A_171 : i32
        %select_n3A_173 = arith.select %and3A_170, %sub3A_172, %div3A_151 : i32
        %mul3A_174 = arith.constant 6 : i32
        %mul3A_175 = arith.muli %select_n3A_173, %mul3A_174 : i32
        %sub3A_176 = arith.subi %add3A_149, %mul3A_175 : i32
        %mul3A_177 = arith.constant 128 : i32
        %mul3A_178 = arith.muli %sub3A_176, %mul3A_177 : i32
        %mul3A_179 = arith.constant 128 : i32
        %mul3A_180 = arith.muli %add3A_149, %mul3A_179 : i32
        %jit3A_181 = arith.constant 6 : i32
        %div3A_182 = arith.divsi %add3A_149, %jit3A_181 : i32
        %sign3A_183 = arith.constant 0 : i32
        %sign3A_184 = arith.cmpi sgt, %add3A_149, %sign3A_183 : i32
        %sign3A_185 = arith.extui %sign3A_184 : i1 to i32
        %sign3A_186 = arith.constant 0 : i32
        %sign3A_187 = arith.cmpi slt, %add3A_149, %sign3A_186 : i32
        %sign3A_188 = arith.extui %sign3A_187 : i1 to i32
        %sign3A_189 = arith.subi %sign3A_185, %sign3A_188 : i32
        %sign3A_190 = arith.constant 0 : i32
        %sign3A_191 = arith.cmpi sgt, %jit3A_181, %sign3A_190 : i32
        %sign3A_192 = arith.extui %sign3A_191 : i1 to i32
        %sign3A_193 = arith.constant 0 : i32
        %sign3A_194 = arith.cmpi slt, %jit3A_181, %sign3A_193 : i32
        %sign3A_195 = arith.extui %sign3A_194 : i1 to i32
        %sign3A_196 = arith.subi %sign3A_192, %sign3A_195 : i32
        %ne3A_197 = arith.cmpi ne, %sign3A_189, %sign3A_196 : i32
        %rem3A_198 = arith.remsi %add3A_149, %jit3A_181 : i32
        %ne3A_199 = arith.constant 0 : i32
        %ne3A_200 = arith.cmpi ne, %rem3A_198, %ne3A_199 : i32
        %and3A_201 = arith.andi %ne3A_197, %ne3A_200 : i1
        %sub3A_202 = arith.constant 1 : i32
        %sub3A_203 = arith.subi %div3A_182, %sub3A_202 : i32
        %select_n3A_204 = arith.select %and3A_201, %sub3A_203, %div3A_182 : i32
        %mul3A_205 = arith.constant 6 : i32
        %mul3A_206 = arith.muli %select_n3A_204, %mul3A_205 : i32
        %sub3A_207 = arith.subi %add3A_149, %mul3A_206 : i32
        %dma_start3A = arith.constant 0 : i32
        %dma_start3A_208 = tpu.memref_slice %arg9[%mul3A_178, %dma_start3A] : memref<768x128xf32, #tpu.memory_space<vmem>> -> memref<128x128xf32, #tpu.memory_space<vmem>>
        %dma_start3A_209 = tpu.memref_slice %arg7[%mul3A_180] : memref<4096xi32, #tpu.memory_space<vmem>> -> memref<128xi32, #tpu.memory_space<vmem>>
        %dma_start3A_210 = arith.constant 0 : i32
        %dma_start3A_211 = arith.constant 0 : i32
        %dma_start3A_212 = tpu.memref_slice %arg2[%dma_start3A_210, %dma_start3A_211] : memref<100000x128xf32, #tpu.memory_space<hbm>> -> memref<100000x128xf32, #tpu.memory_space<hbm>>
        %dma_start3A_213 = tpu.memref_slice %arg13[%sub3A_207] : memref<6x!tpu.dma_semaphore, #tpu.memory_space<semaphore_mem>> -> memref<1x!tpu.dma_semaphore, #tpu.memory_space<semaphore_mem>>
        %dma_start3A_214 = tpu.memref_squeeze %dma_start3A_213 : memref<1x!tpu.dma_semaphore, #tpu.memory_space<semaphore_mem>> -> memref<!tpu.dma_semaphore, #tpu.memory_space<semaphore_mem>>
        tpu.enqueue_indirect_dma source(%dma_start3A_212 : memref<100000x128xf32, #tpu.memory_space<hbm>>) target(%dma_start3A_208 : memref<128x128xf32, #tpu.memory_space<vmem>>) offsets(%dma_start3A_209 : memref<128xi32, #tpu.memory_space<vmem>>) semaphore(%dma_start3A_214 : memref<!tpu.dma_semaphore, #tpu.memory_space<semaphore_mem>>)
      } else {
      }
      %add3A_143 = arith.constant 1 : i32
      %add3A_144 = arith.addi %while3A_129, %add3A_143 : i32
      %mul3A_145 = arith.constant 128 : i32
      %mul3A_146 = arith.muli %add3A_144, %mul3A_145 : i32
      %while3A_147:3 = scf.while (%while3A_148 = %while3A_130, %while3A_149 = %while3A_131, %while3A_150 = %while3A_132) : (i32, i32, i32) -> (i32, i32, i32) {
        %lt3A_151 = arith.constant 128 : i32
        %lt3A_152 = arith.cmpi slt, %while3A_148, %lt3A_151 : i32
        %le3A = arith.cmpi sle, %while3A_150, %mul3A_146 : i32
        %and3A_153 = arith.andi %lt3A_152, %le3A : i1
        scf.condition(%and3A_153) %while3A_148, %while3A_149, %while3A_150 : i32, i32, i32
      } do {
      ^bb0(%while3A_148: i32, %while3A_149: i32, %while3A_150: i32):
        %jit3A_151 = arith.constant 768 : i32
        %div3A_152 = arith.divsi %while3A_149, %jit3A_151 : i32
        %sign3A_153 = arith.constant 0 : i32
        %sign3A_154 = arith.cmpi sgt, %while3A_149, %sign3A_153 : i32
        %sign3A_155 = arith.extui %sign3A_154 : i1 to i32
        %sign3A_156 = arith.constant 0 : i32
        %sign3A_157 = arith.cmpi slt, %while3A_149, %sign3A_156 : i32
        %sign3A_158 = arith.extui %sign3A_157 : i1 to i32
        %sign3A_159 = arith.subi %sign3A_155, %sign3A_158 : i32
        %sign3A_160 = arith.constant 0 : i32
        %sign3A_161 = arith.cmpi sgt, %jit3A_151, %sign3A_160 : i32
        %sign3A_162 = arith.extui %sign3A_161 : i1 to i32
        %sign3A_163 = arith.constant 0 : i32
        %sign3A_164 = arith.cmpi slt, %jit3A_151, %sign3A_163 : i32
        %sign3A_165 = arith.extui %sign3A_164 : i1 to i32
        %sign3A_166 = arith.subi %sign3A_162, %sign3A_165 : i32
        %ne3A_167 = arith.cmpi ne, %sign3A_159, %sign3A_166 : i32
        %rem3A_168 = arith.remsi %while3A_149, %jit3A_151 : i32
        %ne3A_169 = arith.constant 0 : i32
        %ne3A_170 = arith.cmpi ne, %rem3A_168, %ne3A_169 : i32
        %and3A_171 = arith.andi %ne3A_167, %ne3A_170 : i1
        %sub3A_172 = arith.constant 1 : i32
        %sub3A_173 = arith.subi %div3A_152, %sub3A_172 : i32
        %select_n3A_174 = arith.select %and3A_171, %sub3A_173, %div3A_152 : i32
        %mul3A_175 = arith.constant 768 : i32
        %mul3A_176 = arith.muli %select_n3A_174, %mul3A_175 : i32
        %sub3A_177 = arith.subi %while3A_149, %mul3A_176 : i32
        %broadcast_in_dim3A = arith.constant 0.000000e+00 : f32
        %broadcast_in_dim3A_178 = vector.broadcast %broadcast_in_dim3A : f32 to vector<16xf32>
        %broadcast_in_dim3A_179 = arith.constant 0.000000e+00 : f32
        %broadcast_in_dim3A_180 = vector.broadcast %broadcast_in_dim3A_179 : f32 to vector<16xf32>
        %broadcast_in_dim3A_181 = arith.constant 0.000000e+00 : f32
        %broadcast_in_dim3A_182 = vector.broadcast %broadcast_in_dim3A_181 : f32 to vector<16xf32>
        %broadcast_in_dim3A_183 = arith.constant 0.000000e+00 : f32
        %broadcast_in_dim3A_184 = vector.broadcast %broadcast_in_dim3A_183 : f32 to vector<16xf32>
        %broadcast_in_dim3A_185 = arith.constant 0.000000e+00 : f32
        %broadcast_in_dim3A_186 = vector.broadcast %broadcast_in_dim3A_185 : f32 to vector<16xf32>
        %broadcast_in_dim3A_187 = arith.constant 0.000000e+00 : f32
        %broadcast_in_dim3A_188 = vector.broadcast %broadcast_in_dim3A_187 : f32 to vector<16xf32>
        %broadcast_in_dim3A_189 = arith.constant 0.000000e+00 : f32
        %broadcast_in_dim3A_190 = vector.broadcast %broadcast_in_dim3A_189 : f32 to vector<16xf32>
        %broadcast_in_dim3A_191 = arith.constant 0.000000e+00 : f32
        %broadcast_in_dim3A_192 = vector.broadcast %broadcast_in_dim3A_191 : f32 to vector<16xf32>
        %while3A_193 = arith.subi %while3A_150, %while3A_149 : i32
        %while3A_194 = arith.addi %while3A_149, %while3A_193 : i32
        %while3A_195 = arith.constant 1 : i32
        %while3A_196 = arith.divsi %while3A_193, %while3A_195 : i32
        %while3A_197 = arith.muli %while3A_196, %while3A_195 : i32
        %while3A_198 = arith.addi %while3A_149, %while3A_197 : i32
        %while3A_199 = arith.constant 1 : i32
        %while3A_200:9 = scf.for %while3A_253 = %while3A_149 to %while3A_198 step %while3A_199 iter_args(%while3A_254 = %broadcast_in_dim3A_178, %while3A_255 = %broadcast_in_dim3A_180, %while3A_256 = %broadcast_in_dim3A_182, %while3A_257 = %broadcast_in_dim3A_184, %while3A_258 = %broadcast_in_dim3A_186, %while3A_259 = %broadcast_in_dim3A_188, %while3A_260 = %broadcast_in_dim3A_190, %while3A_261 = %broadcast_in_dim3A_192, %while3A_262 = %sub3A_177) -> (vector<16xf32>, vector<16xf32>, vector<16xf32>, vector<16xf32>, vector<16xf32>, vector<16xf32>, vector<16xf32>, vector<16xf32>, i32)  : i32 {
          %get3A_263 = arith.index_cast %while3A_262 : i32 to index
          %get3A_264 = arith.constant 0 : index
          %get3A_265 = tpu.vector_load %arg9[%get3A_263, %get3A_264] {strides = array<i32>} : memref<768x128xf32, #tpu.memory_space<vmem>>, vector<16xf32>,
          %add3A_266 = arith.addf %while3A_254, %get3A_265 : vector<16xf32>
          %get3A_267 = arith.index_cast %while3A_262 : i32 to index
          %get3A_268 = arith.constant 16 : index
          %get3A_269 = tpu.vector_load %arg9[%get3A_267, %get3A_268] {strides = array<i32>} : memref<768x128xf32, #tpu.memory_space<vmem>>, vector<16xf32>,
          %add3A_270 = arith.addf %while3A_255, %get3A_269 : vector<16xf32>
          %get3A_271 = arith.index_cast %while3A_262 : i32 to index
          %get3A_272 = arith.constant 32 : index
          %get3A_273 = tpu.vector_load %arg9[%get3A_271, %get3A_272] {strides = array<i32>} : memref<768x128xf32, #tpu.memory_space<vmem>>, vector<16xf32>,
          %add3A_274 = arith.addf %while3A_256, %get3A_273 : vector<16xf32>
          %get3A_275 = arith.index_cast %while3A_262 : i32 to index
          %get3A_276 = arith.constant 48 : index
          %get3A_277 = tpu.vector_load %arg9[%get3A_275, %get3A_276] {strides = array<i32>} : memref<768x128xf32, #tpu.memory_space<vmem>>, vector<16xf32>,
          %add3A_278 = arith.addf %while3A_257, %get3A_277 : vector<16xf32>
          %get3A_279 = arith.index_cast %while3A_262 : i32 to index
          %get3A_280 = arith.constant 64 : index
          %get3A_281 = tpu.vector_load %arg9[%get3A_279, %get3A_280] {strides = array<i32>} : memref<768x128xf32, #tpu.memory_space<vmem>>, vector<16xf32>,
          %add3A_282 = arith.addf %while3A_258, %get3A_281 : vector<16xf32>
          %get3A_283 = arith.index_cast %while3A_262 : i32 to index
          %get3A_284 = arith.constant 80 : index
          %get3A_285 = tpu.vector_load %arg9[%get3A_283, %get3A_284] {strides = array<i32>} : memref<768x128xf32, #tpu.memory_space<vmem>>, vector<16xf32>,
          %add3A_286 = arith.addf %while3A_259, %get3A_285 : vector<16xf32>
          %get3A_287 = arith.index_cast %while3A_262 : i32 to index
          %get3A_288 = arith.constant 96 : index
          %get3A_289 = tpu.vector_load %arg9[%get3A_287, %get3A_288] {strides = array<i32>} : memref<768x128xf32, #tpu.memory_space<vmem>>, vector<16xf32>,
          %add3A_290 = arith.addf %while3A_260, %get3A_289 : vector<16xf32>
          %get3A_291 = arith.index_cast %while3A_262 : i32 to index
          %get3A_292 = arith.constant 112 : index
          %get3A_293 = tpu.vector_load %arg9[%get3A_291, %get3A_292] {strides = array<i32>} : memref<768x128xf32, #tpu.memory_space<vmem>>, vector<16xf32>,
          %add3A_294 = arith.addf %while3A_261, %get3A_293 : vector<16xf32>
          %add3A_295 = arith.constant 1 : i32
          %add3A_296 = arith.addi %while3A_262, %add3A_295 : i32
          %eq3A_297 = arith.constant 768 : i32
          %eq3A_298 = arith.cmpi eq, %add3A_296, %eq3A_297 : i32
          %jit3A_299 = arith.constant 0 : i32
          %select_n3A_300 = arith.select %eq3A_298, %jit3A_299, %add3A_296 : i32
          scf.yield %add3A_266, %add3A_270, %add3A_274, %add3A_278, %add3A_282, %add3A_286, %add3A_290, %add3A_294, %select_n3A_300 : vector<16xf32>, vector<16xf32>, vector<16xf32>, vector<16xf32>, vector<16xf32>, vector<16xf32>, vector<16xf32>, vector<16xf32>, i32
        }
        %while3A_201 = arith.constant 1 : i32
        %while3A_202:9 = scf.for %while3A_253 = %while3A_198 to %while3A_194 step %while3A_201 iter_args(%while3A_254 = %while3A_200#0, %while3A_255 = %while3A_200#1, %while3A_256 = %while3A_200#2, %while3A_257 = %while3A_200#3, %while3A_258 = %while3A_200#4, %while3A_259 = %while3A_200#5, %while3A_260 = %while3A_200#6, %while3A_261 = %while3A_200#7, %while3A_262 = %while3A_200#8) -> (vector<16xf32>, vector<16xf32>, vector<16xf32>, vector<16xf32>, vector<16xf32>, vector<16xf32>, vector<16xf32>, vector<16xf32>, i32)  : i32 {
          %get3A_263 = arith.index_cast %while3A_262 : i32 to index
          %get3A_264 = arith.constant 0 : index
          %get3A_265 = tpu.vector_load %arg9[%get3A_263, %get3A_264] {strides = array<i32>} : memref<768x128xf32, #tpu.memory_space<vmem>>, vector<16xf32>,
          %add3A_266 = arith.addf %while3A_254, %get3A_265 : vector<16xf32>
          %get3A_267 = arith.index_cast %while3A_262 : i32 to index
          %get3A_268 = arith.constant 16 : index
          %get3A_269 = tpu.vector_load %arg9[%get3A_267, %get3A_268] {strides = array<i32>} : memref<768x128xf32, #tpu.memory_space<vmem>>, vector<16xf32>,
          %add3A_270 = arith.addf %while3A_255, %get3A_269 : vector<16xf32>
          %get3A_271 = arith.index_cast %while3A_262 : i32 to index
          %get3A_272 = arith.constant 32 : index
          %get3A_273 = tpu.vector_load %arg9[%get3A_271, %get3A_272] {strides = array<i32>} : memref<768x128xf32, #tpu.memory_space<vmem>>, vector<16xf32>,
          %add3A_274 = arith.addf %while3A_256, %get3A_273 : vector<16xf32>
          %get3A_275 = arith.index_cast %while3A_262 : i32 to index
          %get3A_276 = arith.constant 48 : index
          %get3A_277 = tpu.vector_load %arg9[%get3A_275, %get3A_276] {strides = array<i32>} : memref<768x128xf32, #tpu.memory_space<vmem>>, vector<16xf32>,
          %add3A_278 = arith.addf %while3A_257, %get3A_277 : vector<16xf32>
          %get3A_279 = arith.index_cast %while3A_262 : i32 to index
          %get3A_280 = arith.constant 64 : index
          %get3A_281 = tpu.vector_load %arg9[%get3A_279, %get3A_280] {strides = array<i32>} : memref<768x128xf32, #tpu.memory_space<vmem>>, vector<16xf32>,
          %add3A_282 = arith.addf %while3A_258, %get3A_281 : vector<16xf32>
          %get3A_283 = arith.index_cast %while3A_262 : i32 to index
          %get3A_284 = arith.constant 80 : index
          %get3A_285 = tpu.vector_load %arg9[%get3A_283, %get3A_284] {strides = array<i32>} : memref<768x128xf32, #tpu.memory_space<vmem>>, vector<16xf32>,
          %add3A_286 = arith.addf %while3A_259, %get3A_285 : vector<16xf32>
          %get3A_287 = arith.index_cast %while3A_262 : i32 to index
          %get3A_288 = arith.constant 96 : index
          %get3A_289 = tpu.vector_load %arg9[%get3A_287, %get3A_288] {strides = array<i32>} : memref<768x128xf32, #tpu.memory_space<vmem>>, vector<16xf32>,
          %add3A_290 = arith.addf %while3A_260, %get3A_289 : vector<16xf32>
          %get3A_291 = arith.index_cast %while3A_262 : i32 to index
          %get3A_292 = arith.constant 112 : index
          %get3A_293 = tpu.vector_load %arg9[%get3A_291, %get3A_292] {strides = array<i32>} : memref<768x128xf32, #tpu.memory_space<vmem>>, vector<16xf32>,
          %add3A_294 = arith.addf %while3A_261, %get3A_293 : vector<16xf32>
          %add3A_295 = arith.constant 1 : i32
          %add3A_296 = arith.addi %while3A_262, %add3A_295 : i32
          %eq3A_297 = arith.constant 768 : i32
          %eq3A_298 = arith.cmpi eq, %add3A_296, %eq3A_297 : i32
          %jit3A_299 = arith.constant 0 : i32
          %select_n3A_300 = arith.select %eq3A_298, %jit3A_299, %add3A_296 : i32
          scf.yield %add3A_266, %add3A_270, %add3A_274, %add3A_278, %add3A_282, %add3A_286, %add3A_290, %add3A_294, %select_n3A_300 : vector<16xf32>, vector<16xf32>, vector<16xf32>, vector<16xf32>, vector<16xf32>, vector<16xf32>, vector<16xf32>, vector<16xf32>, i32
        }
        %get3A_203 = arith.index_cast %while3A_148 : i32 to index
        %get3A_204 = arith.constant 0 : index
        %get3A_205 = tpu.vector_load %arg12[%get3A_203, %get3A_204] {strides = array<i32>} : memref<128x16xf32, #tpu.memory_space<vmem>>, vector<16xf32>,
        %mul3A_206 = arith.mulf %while3A_202#0, %get3A_205 : vector<16xf32>
        %swap3A = arith.index_cast %while3A_148 : i32 to index
        %swap3A_207 = arith.constant 0 : index
        %swap3A_208 = tpu.vector_load %arg10[%swap3A, %swap3A_207] {strides = array<i32>} : memref<128x128xf32, #tpu.memory_space<vmem>>, vector<16xf32>,
        tpu.vector_store %arg10[%swap3A, %swap3A_207], %mul3A_206 {strides = array<i32>} : memref<128x128xf32, #tpu.memory_space<vmem>>, vector<16xf32>,
        %mul3A_209 = arith.mulf %while3A_202#1, %get3A_205 : vector<16xf32>
        %swap3A_210 = arith.index_cast %while3A_148 : i32 to index
        %swap3A_211 = arith.constant 16 : index
        %swap3A_212 = tpu.vector_load %arg10[%swap3A_210, %swap3A_211] {strides = array<i32>} : memref<128x128xf32, #tpu.memory_space<vmem>>, vector<16xf32>,
        tpu.vector_store %arg10[%swap3A_210, %swap3A_211], %mul3A_209 {strides = array<i32>} : memref<128x128xf32, #tpu.memory_space<vmem>>, vector<16xf32>,
        %mul3A_213 = arith.mulf %while3A_202#2, %get3A_205 : vector<16xf32>
        %swap3A_214 = arith.index_cast %while3A_148 : i32 to index
        %swap3A_215 = arith.constant 32 : index
        %swap3A_216 = tpu.vector_load %arg10[%swap3A_214, %swap3A_215] {strides = array<i32>} : memref<128x128xf32, #tpu.memory_space<vmem>>, vector<16xf32>,
        tpu.vector_store %arg10[%swap3A_214, %swap3A_215], %mul3A_213 {strides = array<i32>} : memref<128x128xf32, #tpu.memory_space<vmem>>, vector<16xf32>,
        %mul3A_217 = arith.mulf %while3A_202#3, %get3A_205 : vector<16xf32>
        %swap3A_218 = arith.index_cast %while3A_148 : i32 to index
        %swap3A_219 = arith.constant 48 : index
        %swap3A_220 = tpu.vector_load %arg10[%swap3A_218, %swap3A_219] {strides = array<i32>} : memref<128x128xf32, #tpu.memory_space<vmem>>, vector<16xf32>,
        tpu.vector_store %arg10[%swap3A_218, %swap3A_219], %mul3A_217 {strides = array<i32>} : memref<128x128xf32, #tpu.memory_space<vmem>>, vector<16xf32>,
        %mul3A_221 = arith.mulf %while3A_202#4, %get3A_205 : vector<16xf32>
        %swap3A_222 = arith.index_cast %while3A_148 : i32 to index
        %swap3A_223 = arith.constant 64 : index
        %swap3A_224 = tpu.vector_load %arg10[%swap3A_222, %swap3A_223] {strides = array<i32>} : memref<128x128xf32, #tpu.memory_space<vmem>>, vector<16xf32>,
        tpu.vector_store %arg10[%swap3A_222, %swap3A_223], %mul3A_221 {strides = array<i32>} : memref<128x128xf32, #tpu.memory_space<vmem>>, vector<16xf32>,
        %mul3A_225 = arith.mulf %while3A_202#5, %get3A_205 : vector<16xf32>
        %swap3A_226 = arith.index_cast %while3A_148 : i32 to index
        %swap3A_227 = arith.constant 80 : index
        %swap3A_228 = tpu.vector_load %arg10[%swap3A_226, %swap3A_227] {strides = array<i32>} : memref<128x128xf32, #tpu.memory_space<vmem>>, vector<16xf32>,
        tpu.vector_store %arg10[%swap3A_226, %swap3A_227], %mul3A_225 {strides = array<i32>} : memref<128x128xf32, #tpu.memory_space<vmem>>, vector<16xf32>,
        %mul3A_229 = arith.mulf %while3A_202#6, %get3A_205 : vector<16xf32>
        %swap3A_230 = arith.index_cast %while3A_148 : i32 to index
        %swap3A_231 = arith.constant 96 : index
        %swap3A_232 = tpu.vector_load %arg10[%swap3A_230, %swap3A_231] {strides = array<i32>} : memref<128x128xf32, #tpu.memory_space<vmem>>, vector<16xf32>,
        tpu.vector_store %arg10[%swap3A_230, %swap3A_231], %mul3A_229 {strides = array<i32>} : memref<128x128xf32, #tpu.memory_space<vmem>>, vector<16xf32>,
        %mul3A_233 = arith.mulf %while3A_202#7, %get3A_205 : vector<16xf32>
        %swap3A_234 = arith.index_cast %while3A_148 : i32 to index
        %swap3A_235 = arith.constant 112 : index
        %swap3A_236 = tpu.vector_load %arg10[%swap3A_234, %swap3A_235] {strides = array<i32>} : memref<128x128xf32, #tpu.memory_space<vmem>>, vector<16xf32>,
        tpu.vector_store %arg10[%swap3A_234, %swap3A_235], %mul3A_233 {strides = array<i32>} : memref<128x128xf32, #tpu.memory_space<vmem>>, vector<16xf32>,
        %and3A_237 = arith.constant 31 : i32
        %and3A_238 = arith.andi %while3A_148, %and3A_237 : i32
        %eq3A = arith.constant 31 : i32
        %eq3A_239 = arith.cmpi eq, %and3A_238, %eq3A : i32
        %convert_element_type3A_240 = arith.extui %eq3A_239 : i1 to i32
        %cond3A_241 = arith.constant 0 : i32
        %cond3A_242 = arith.cmpi ne, %convert_element_type3A_240, %cond3A_241 : i32
        scf.if %cond3A_242 {
          %sub3A_253 = arith.constant 31 : i32
          %sub3A_254 = arith.subi %while3A_148, %sub3A_253 : i32
          %mul3A_255 = arith.constant 128 : i32
          %mul3A_256 = arith.muli %add3A, %mul3A_255 : i32
          %add3A_257 = arith.addi %mul3A_256, %sub3A_254 : i32
          %dma_start3A = arith.constant 0 : i32
          %dma_start3A_258 = tpu.memref_slice %arg10[%sub3A_254, %dma_start3A] : memref<128x128xf32, #tpu.memory_space<vmem>> -> memref<32x128xf32, #tpu.memory_space<vmem>>
          %dma_start3A_259 = arith.constant 0 : i32
          %dma_start3A_260 = tpu.memref_slice %arg5[%add3A_257, %dma_start3A_259] : memref<4096x128xf32, #tpu.memory_space<hbm>> -> memref<32x128xf32, #tpu.memory_space<hbm>>
          %dma_start3A_261 = arith.constant 0 : i32
          %dma_start3A_262 = tpu.memref_slice %arg5[%add3A_257, %dma_start3A_261] : memref<4096x128xf32, #tpu.memory_space<hbm>> -> memref<32x128xf32, #tpu.memory_space<hbm>>
          %dma_start3A_263 = arith.constant 0 : i32
          %dma_start3A_264 = tpu.memref_slice %arg10[%sub3A_254, %dma_start3A_263] : memref<128x128xf32, #tpu.memory_space<vmem>> -> memref<32x128xf32, #tpu.memory_space<vmem>>
          tpu.enqueue_dma source(%dma_start3A_264 : memref<32x128xf32, #tpu.memory_space<vmem>>) target(%dma_start3A_262 : memref<32x128xf32, #tpu.memory_space<hbm>>) target_semaphore(%arg14 : memref<!tpu.dma_semaphore, #tpu.memory_space<semaphore_mem>>)
        } else {
        }
        %add3A_243 = arith.constant 1 : i32
        %add3A_244 = arith.addi %while3A_148, %add3A_243 : i32
        %min3A = arith.constant 127 : i32
        %min3A_245 = arith.minsi %add3A_244, %min3A : i32
        %get3A_246 = arith.index_cast %min3A_245 : i32 to index
        %get3A_247 = arith.constant 0 : index
        %get3A_248 = tpu.vector_load %arg11[%get3A_246, %get3A_247] {strides = array<i32>} : memref<128x16xi32, #tpu.memory_space<vmem>>, vector<16xi32>,
        %slice3A_249 = vector.extract_strided_slice %get3A_248 {offsets = [0], sizes = [1], strides = [1]} : vector<16xi32> to vector<1xi32>
        %squeeze3A_250 = vector.extract %slice3A_249[0] : i32 from vector<1xi32>
        %add3A_251 = arith.constant 1 : i32
        %add3A_252 = arith.addi %while3A_148, %add3A_251 : i32
        scf.yield %add3A_252, %while3A_150, %squeeze3A_250 : i32, i32, i32
      }
      scf.yield %while3A_147#0, %while3A_147#1, %while3A_147#2 : i32, i32, i32
    }
    %mul3A_74 = arith.constant 128 : i32
    %mul3A_75 = arith.muli %add3A, %mul3A_74 : i32
    %add3A_76 = arith.constant 0 : i32
    %add3A_77 = arith.addi %mul3A_75, %add3A_76 : i32
    %dma_wait3A = arith.constant 0 : i32
    %dma_wait3A_78 = arith.constant 0 : i32
    %dma_wait3A_79 = tpu.memref_slice %arg10[%dma_wait3A, %dma_wait3A_78] : memref<128x128xf32, #tpu.memory_space<vmem>> -> memref<32x128xf32, #tpu.memory_space<vmem>>
    %dma_wait3A_80 = arith.constant 0 : i32
    %dma_wait3A_81 = tpu.memref_slice %arg5[%add3A_77, %dma_wait3A_80] : memref<4096x128xf32, #tpu.memory_space<hbm>> -> memref<32x128xf32, #tpu.memory_space<hbm>>
    %dma_wait3A_82 = arith.constant 0 : i32
    %dma_wait3A_83 = tpu.memref_slice %arg5[%add3A_77, %dma_wait3A_82] : memref<4096x128xf32, #tpu.memory_space<hbm>> -> memref<32x128xf32, #tpu.memory_space<hbm>>
    %dma_wait3A_84 = arith.constant 0 : i32
    %dma_wait3A_85 = arith.constant 0 : i32
    %dma_wait3A_86 = tpu.memref_slice %arg10[%dma_wait3A_84, %dma_wait3A_85] : memref<128x128xf32, #tpu.memory_space<vmem>> -> memref<32x128xf32, #tpu.memory_space<vmem>>
    tpu.wait_dma2 semaphore(%arg14 : memref<!tpu.dma_semaphore, #tpu.memory_space<semaphore_mem>>) src(%dma_wait3A_86 : memref<32x128xf32, #tpu.memory_space<vmem>>) dst(%dma_wait3A_83 : memref<32x128xf32, #tpu.memory_space<hbm>>)
    %mul3A_87 = arith.constant 128 : i32
    %mul3A_88 = arith.muli %add3A, %mul3A_87 : i32
    %add3A_89 = arith.constant 32 : i32
    %add3A_90 = arith.addi %mul3A_88, %add3A_89 : i32
    %dma_wait3A_91 = arith.constant 32 : i32
    %dma_wait3A_92 = arith.constant 0 : i32
    %dma_wait3A_93 = tpu.memref_slice %arg10[%dma_wait3A_91, %dma_wait3A_92] : memref<128x128xf32, #tpu.memory_space<vmem>> -> memref<32x128xf32, #tpu.memory_space<vmem>>
    %dma_wait3A_94 = arith.constant 0 : i32
    %dma_wait3A_95 = tpu.memref_slice %arg5[%add3A_90, %dma_wait3A_94] : memref<4096x128xf32, #tpu.memory_space<hbm>> -> memref<32x128xf32, #tpu.memory_space<hbm>>
    %dma_wait3A_96 = arith.constant 0 : i32
    %dma_wait3A_97 = tpu.memref_slice %arg5[%add3A_90, %dma_wait3A_96] : memref<4096x128xf32, #tpu.memory_space<hbm>> -> memref<32x128xf32, #tpu.memory_space<hbm>>
    %dma_wait3A_98 = arith.constant 32 : i32
    %dma_wait3A_99 = arith.constant 0 : i32
    %dma_wait3A_100 = tpu.memref_slice %arg10[%dma_wait3A_98, %dma_wait3A_99] : memref<128x128xf32, #tpu.memory_space<vmem>> -> memref<32x128xf32, #tpu.memory_space<vmem>>
    tpu.wait_dma2 semaphore(%arg14 : memref<!tpu.dma_semaphore, #tpu.memory_space<semaphore_mem>>) src(%dma_wait3A_100 : memref<32x128xf32, #tpu.memory_space<vmem>>) dst(%dma_wait3A_97 : memref<32x128xf32, #tpu.memory_space<hbm>>)
    %mul3A_101 = arith.constant 128 : i32
    %mul3A_102 = arith.muli %add3A, %mul3A_101 : i32
    %add3A_103 = arith.constant 64 : i32
    %add3A_104 = arith.addi %mul3A_102, %add3A_103 : i32
    %dma_wait3A_105 = arith.constant 64 : i32
    %dma_wait3A_106 = arith.constant 0 : i32
    %dma_wait3A_107 = tpu.memref_slice %arg10[%dma_wait3A_105, %dma_wait3A_106] : memref<128x128xf32, #tpu.memory_space<vmem>> -> memref<32x128xf32, #tpu.memory_space<vmem>>
    %dma_wait3A_108 = arith.constant 0 : i32
    %dma_wait3A_109 = tpu.memref_slice %arg5[%add3A_104, %dma_wait3A_108] : memref<4096x128xf32, #tpu.memory_space<hbm>> -> memref<32x128xf32, #tpu.memory_space<hbm>>
    %dma_wait3A_110 = arith.constant 0 : i32
    %dma_wait3A_111 = tpu.memref_slice %arg5[%add3A_104, %dma_wait3A_110] : memref<4096x128xf32, #tpu.memory_space<hbm>> -> memref<32x128xf32, #tpu.memory_space<hbm>>
    %dma_wait3A_112 = arith.constant 64 : i32
    %dma_wait3A_113 = arith.constant 0 : i32
    %dma_wait3A_114 = tpu.memref_slice %arg10[%dma_wait3A_112, %dma_wait3A_113] : memref<128x128xf32, #tpu.memory_space<vmem>> -> memref<32x128xf32, #tpu.memory_space<vmem>>
    tpu.wait_dma2 semaphore(%arg14 : memref<!tpu.dma_semaphore, #tpu.memory_space<semaphore_mem>>) src(%dma_wait3A_114 : memref<32x128xf32, #tpu.memory_space<vmem>>) dst(%dma_wait3A_111 : memref<32x128xf32, #tpu.memory_space<hbm>>)
    %mul3A_115 = arith.constant 128 : i32
    %mul3A_116 = arith.muli %add3A, %mul3A_115 : i32
    %add3A_117 = arith.constant 96 : i32
    %add3A_118 = arith.addi %mul3A_116, %add3A_117 : i32
    %dma_wait3A_119 = arith.constant 96 : i32
    %dma_wait3A_120 = arith.constant 0 : i32
    %dma_wait3A_121 = tpu.memref_slice %arg10[%dma_wait3A_119, %dma_wait3A_120] : memref<128x128xf32, #tpu.memory_space<vmem>> -> memref<32x128xf32, #tpu.memory_space<vmem>>
    %dma_wait3A_122 = arith.constant 0 : i32
    %dma_wait3A_123 = tpu.memref_slice %arg5[%add3A_118, %dma_wait3A_122] : memref<4096x128xf32, #tpu.memory_space<hbm>> -> memref<32x128xf32, #tpu.memory_space<hbm>>
    %dma_wait3A_124 = arith.constant 0 : i32
    %dma_wait3A_125 = tpu.memref_slice %arg5[%add3A_118, %dma_wait3A_124] : memref<4096x128xf32, #tpu.memory_space<hbm>> -> memref<32x128xf32, #tpu.memory_space<hbm>>
    %dma_wait3A_126 = arith.constant 96 : i32
    %dma_wait3A_127 = arith.constant 0 : i32
    %dma_wait3A_128 = tpu.memref_slice %arg10[%dma_wait3A_126, %dma_wait3A_127] : memref<128x128xf32, #tpu.memory_space<vmem>> -> memref<32x128xf32, #tpu.memory_space<vmem>>
    tpu.wait_dma2 semaphore(%arg14 : memref<!tpu.dma_semaphore, #tpu.memory_space<semaphore_mem>>) src(%dma_wait3A_128 : memref<32x128xf32, #tpu.memory_space<vmem>>) dst(%dma_wait3A_125 : memref<32x128xf32, #tpu.memory_space<hbm>>)
    return
  }
}

</mosaic_0001>

<sc_bundles>
// kernel: kernel.3.cloned.1.call-start
scs
__scs_entry_jumppad:
0x0: {  	(pc) =	sbr.rel $0x88, $3  }
0x1: {  	(tag) =	ssettag $0x0;
	lr =	simm.s32 $0x1  }
0x2: {  	[smem:$0x3F9E] =	sst lr;
	_ =	strace $0xD0000000  }
0x3: {  	_ = 	snop  }
0x4: {  	_ = 	snop  }
0x5: {  	_ = 	snop  }
0x6: {  	_ = 	snop  }
0x7: {  	_ = 	snop  }
__scs_overlays_trampoline_lowered:
0x8: {  	[smem:$0x3FAD] =	sst s0  }
0x9: {  	[smem:$0x3FAE] =	sst s1  }
0xa: {  	[smem:$0x3FAF] =	sst s2  }
0xb: {  	[smem:$0x3FB0] =	sst s3  }
0xc: {  	[smem:$0x3FB1] =	sst s4  }
0xd: {  	[smem:$0x3FB2] =	sst s5  }
0xe: {  	[smem:$0x3FB3] =	sst s6  }
0xf: {  	[smem:$0x3FB4] =	sst s7  }
0x10: {  	[smem:$0x3FB5] =	sst s8  }
0x11: {  	[smem:$0x3FB6] =	sst s9;
	s0 =	simm.s32 @!p0 $0x0  }
0x12: {  	s1 =	sld [smem:$0x3F9C];
	s0 =	simm.s32 @p0 $0x1  }
0x13: {  	[smem:$0x3FB7] =	sst s0;
	s0 =	simm.s32 @!p1 $0x0  }
0x14: {  	s2 =	sld [smem:$0x3F9B];
	s0 =	simm.s32 @p1 $0x1  }
0x15: {  	[smem:$0x3FB8] =	sst s0;
	s0 =	simm.s32 @!p2 $0x0  }
0x16: {  	s3 =	sld [smem:$0x3FDB];
	s0 =	simm.s32 @p2 $0x1  }
0x17: {  	s4 =	simm.s32 $0x1BF5;
	[smem:$0x3FBA] =	sst s0  }
0x18: {  	s0 =	sld [smem:$0x3F9D];
	_ =	swait.ge [sflag:s4], $0x0  }
0x19: {  	s7 =	sld [smem:$0x3F9E]  }
0x1a: {  	s8 =	sadd.s32 $0xFFFFE003, lr  }
0x1b: {  	s9 =	sadd.s32 $0xFFFFFEF7, lr;
	s5 =	simm.s32 $0xFFFFFFFF;
	p2 =	slt.u32 s8, $0xFFFFF086  }
0x1c: {  	p1 =	slt.u32 s9, $0xF7A;
	s5 =	simm.s32 @!p2 $0x0  }
0x1d: {  	s5 =	simm.s32 @p1 $0x1;
	p0 =	seq.s32 s7, s2  }
0x1e: {  	s7 =	smul.u32 @!p0 $0xF7A, s2;
	p2 =	seq.s32 @!p0 s5, $0x0  }
0x1f: {  	s9 =	smul.u32 $0xF7A, s1;
	s8 =	simm.s32 @!p0 $0x1BF5;
	p2 =	por !p2, p0  }
0x20: {  	[sflag:s8] =	ssyncset.s32 @!p0 $0xFFFFF086;
	s6 =	sadd.s32 @!p0 s3, s7;
	s7 =	simm.s32 @!p0 $0x108  }
0x21: {  	s3 =	sadd.s32 s3, s9;
	s6 =	sadd.s32 @!p0 $0x88, s6;
	s7 =	simm.s32 @p2 $0x1082  }
0x22: {  	[simem:s7], [sflag:s8] =	dma.local @!p0 [hbm:s6], $0xF7A  }
0x23: {  	s9 =	sor.u32 $0xD0000000, s2;
	s6 =	simm.s32 $0x108;
	_ =	swait.ge @!p0 [sflag:s8], $0x0  }
0x24: {  	s3 =	sadd.s32 $0x88, s3;
	s6 =	simm.s32 @!p1 $0x1082;
	[sflag:s4] =	ssyncset.s32 $0xFFFFF086  }
0x25: {  	[simem:s6], [sflag:s4] =	dma.local [hbm:s3], $0xF7A  }
0x26: {  	[smem:$0x3F9E] =	sst s1;
	(tag) =	ssettag s2;
	_ =	strace s9  }
0x27: {  	s1 =	sld [smem:$0x3FAE]  }
0x28: {  	s2 =	sld [smem:$0x3FAF]  }
0x29: {  	s4 =	sld [smem:$0x3FB1]  }
0x2a: {  	p0 =	seq.s32 s5, $0x0;
	s5 =	sld [smem:$0x3FB2]  }
0x2b: {  	s6 =	sld [smem:$0x3FB3]  }
0x2c: {  	s7 =	sld [smem:$0x3FB4]  }
0x2d: {  	s3 =	simm.s32 $0x108;
	s8 =	sld [smem:$0x3FB5]  }
0x2e: {  	s3 =	simm.s32 @!p0 $0x1082;
	s9 =	sld [smem:$0x3FB6]  }
0x2f: {  	lr =	sadd.s32 s0, s3;
	s0 =	sld [smem:$0x3FAD]  }
0x30: {  	s3 =	sld [smem:$0x3FB0]  }
0x31: {  	[smem:$0x3FB9] =	sst s10  }
0x32: {  	s10 =	sld [smem:$0x3FB7];
	_ =	sdelay $0x3  }
0x33: {  	p0 =	seq.s32 s10, $0x1;
	s10 =	sld [smem:$0x3FB9];
	_ =	sdelay $0x3  }
0x34: {  	[smem:$0x3FB9] =	sst s10  }
0x35: {  	s10 =	sld [smem:$0x3FB8];
	_ =	sdelay $0x3  }
0x36: {  	p1 =	seq.s32 s10, $0x1;
	s10 =	sld [smem:$0x3FB9];
	_ =	sdelay $0x3  }
0x37: {  	[smem:$0x3FB9] =	sst s10  }
0x38: {  	s10 =	sld [smem:$0x3FBA]  }
0x39: {  	_ = 	snop;
	(pc) =	sbr.ind lr, $3  }
0x3a: {  	_ = 	snop  }
0x3b: {  	_ = 	snop  }
0x3c: {  	p2 =	seq.s32 s10, $0x1;
	s10 =	sld [smem:$0x3FB9]  }
0x3d: {  	_ =	shalt  }
0x3e: {  	_ =	shalt  }
0x3f: {  	_ =	shalt  }
0x40: {  	_ =	shalt  }
0x41: {  	_ =	shalt  }
0x42: {  	_ =	shalt  }
0x43: {  	_ =	shalt  }
0x44: {  	_ =	shalt  }
0x45: {  	_ =	shalt  }
0x46: {  	_ =	shalt  }
0x47: {  	_ =	shalt  }
0x48: {  	_ =	shalt  }
0x49: {  	_ =	shalt  }
0x4a: {  	_ =	shalt  }
0x4b: {  	_ =	shalt  }
0x4c: {  	_ =	shalt  }
0x4d: {  	_ =	shalt  }
0x4e: {  	_ =	shalt  }
0x4f: {  	_ =	shalt  }
0x50: {  	_ =	shalt  }
0x51: {  	_ =	shalt  }
0x52: {  	_ =	shalt  }
0x53: {  	_ =	shalt  }
0x54: {  	_ =	shalt  }
0x55: {  	_ =	shalt  }
0x56: {  	_ =	shalt  }
0x57: {  	_ =	shalt  }
0x58: {  	_ =	shalt  }
0x59: {  	_ =	shalt  }
0x5a: {  	_ =	shalt  }
0x5b: {  	_ =	shalt  }
0x5c: {  	_ =	shalt  }
0x5d: {  	_ =	shalt  }
0x5e: {  	_ =	shalt  }
0x5f: {  	_ =	shalt  }
0x60: {  	_ =	shalt  }
0x61: {  	_ =	shalt  }
0x62: {  	_ =	shalt  }
0x63: {  	_ =	shalt  }
0x64: {  	_ =	shalt  }
0x65: {  	_ =	shalt  }
0x66: {  	_ =	shalt  }
0x67: {  	_ =	shalt  }
0x68: {  	_ =	shalt  }
0x69: {  	_ =	shalt  }
0x6a: {  	_ =	shalt  }
0x6b: {  	_ =	shalt  }
0x6c: {  	_ =	shalt  }
0x6d: {  	_ =	shalt  }
0x6e: {  	_ =	shalt  }
0x6f: {  	_ =	shalt  }
0x70: {  	_ =	shalt  }
0x71: {  	_ =	shalt  }
0x72: {  	_ =	shalt  }
0x73: {  	_ =	shalt  }
0x74: {  	_ =	shalt  }
0x75: {  	_ =	shalt  }
0x76: {  	_ =	shalt  }
0x77: {  	_ =	shalt  }
0x78: {  	_ =	shalt  }
0x79: {  	_ =	shalt  }
0x7a: {  	_ =	shalt  }
0x7b: {  	_ =	shalt  }
0x7c: {  	_ =	shalt  }
0x7d: {  	_ =	shalt  }
0x7e: {  	_ =	shalt  }
0x7f: {  	_ =	shalt  }
0x80: {  	_ =	shalt  }
0x81: {  	_ =	shalt  }
0x82: {  	_ =	shalt  }
0x83: {  	_ =	shalt  }
0x84: {  	_ =	shalt  }
0x85: {  	_ =	shalt  }
0x86: {  	_ =	shalt  }
0x87: {  	_ =	shalt  }
.Lfunc_end0:
.L_simem_size_0:
called_computation_lowered:
.L_overlay_start_0:
0x88: {  	s2 =	sld [smem:$0x3FD9]  }
0x89: {  	s3 =	sld [smem:$0x3FFE];
	_ =	sdelay $0x1  }
0x8a: {  	s1 =	srdreg.scid  }
0x8b: {  	s0 =	sand.u32 $0x1, s1  }
0x8c: {  	s17 =	sshll.u32 s0, $0xA;
	s2 =	sadd.s32 s3, s2  }
0x8d: {  	s2 =	sadd.s32 s2, s17  }
0x8e: {  	[smem:$0x3FC5] =	sst s2  }
0x8f: {  	_ = 	snop  }
0x90: {  	s2 =	sld [smem:$0x3FC7]  }
0x91: {  	s18 =	sld [smem:$0x3FD0];
	(tm) =	ssettm $0x1  }
0x92: {  	s4 =	sld [smem:$0x3FFB];
	_ =	sdelay $0x3  }
0x93: {  	_ =	strace s4  }
0x94: {  	s4 =	sld [smem:$0x3FFC];
	_ =	sdelay $0x3  }
0x95: {  	_ =	strace s4  }
0x96: {  	s4 =	sld [smem:$0x3FFD];
	_ =	sdelay $0x3  }
0x97: {  	_ =	strace s4  }
0x98: {  	_ =	strace $0x8FFFFFFF  }
0x99: {  	s19 =	sld [smem:$0x3FDB];
	_ =	sdelay $0x1  }
0x9a: {  	s5 =	simm.s32 $_scs_section_size  }
0x9b: {  	s6 =	simm.s32 $_size__tile_overlayer_lowered;
	s7 =	simm.s32 $_tile_overlayer_lowered  }
0x9c: {  	s22 =	simm.s32 $0x1BFF;
	s21 =	sshll.u32 s7, $0x1;
	s4 =	sadd.s32 s5, s19  }
0x9d: {  	s8 =	simm.s32 $0x0;
	s20 =	sshll.u32 s6, $0x1;
	s6 =	sadd.s32 s21, s4  }
0x9e: {  	[timem:s8], [sflag:s22] =	dma.local [hbm:s6], s20  }
0x9f: {  	_ =	swait.ge [sflag:s22], s20  }
0xa0: {  	s5 =	ssub.s32 $0x0, s20;
	[sflag:s22] =	ssyncset.done $0x0  }
0xa1: {  	[sflag:s22] =	ssyncadd.s32 s5;
	_ =	sdelay $0x1  }
0xa2: {  	s23 =	simm.s32 $0x1B8B  }
0xa3: {  	_ =	swait.ge [sflag:s23], $0x1  }
0xa4: {  	[sflag:s23] =	ssyncset.done $0x0  }
0xa5: {  	s25 =	simm.s32 $0x1B8E;
	s24 =	sld [smem:$0x3FFE];
	[sflag:s23] =	ssyncadd.s32 $0xFFFFFFFF  }
0xa6: {  	s26 =	simm.s32 $execute0_lowered;
	[smem:$0x3FD2] =	sst s25  }
0xa7: {  	s6 =	sshll.u32 s26, $0x1;
	_ =	strace $0x80000046;
	[dreg:$0x1] =	wrdreg $0xFFFFFFFF  }
0xa8: {  	s28 =	simm.s32 $_size_execute0_lowered;
	s4 =	sadd.s32 s4, s6;
	[dreg:$0x0] =	wrdreg $0x0  }
0xa9: {  	s6 =	sshll.u32 s28, $0x1;
	[dreg:$0x2] =	wrdreg s4  }
0xaa: {  	[dreg:$0x3] =	wrdreg s6  }
0xab: {  	[dreg:$0x4] =	wrdreg $0xC0  }
0xac: {  	_ =	task [dreg:s8], $0x5FFFF  }
0xad: {  	[dreg:$0x1] =	wrdreg $0xFFFFFFFF  }
0xae: {  	[dreg:$0x0] =	wrdreg $0x60  }
0xaf: {  	[dreg:$0x2] =	wrdreg s2  }
0xb0: {  	[dreg:$0x3] =	wrdreg s24  }
0xb1: {  	[dreg:$0x4] =	wrdreg s18  }
0xb2: {  	[dreg:$0x5] =	wrdreg $0x9  }
0xb3: {  	_ =	task.clear_ibuf [dreg:s8], $0x6FFFF;
	_ =	strace $0x90000046  }
0xb4: {  	s29 =	simm.s32 $0x9;
	_ =	strace $0x80000048  }
0xb5: {  	_ =	swait.ge [sflag:s29], $0x1  }
0xb6: {  	[sflag:s29] =	ssyncadd.s32 $0xFFFFFFFF  }
0xb7: {  	_ =	strace $0x90000048  }
0xb8: {  	_ =	sfence  }
0xb9: {  	s30 =	sld [smem:$0x0];
	_ =	sdelay $0x2  }
0xba: {  	s31 =	sshll.u32 s1, $0xD;
	s1 =	sshrl.u32 s1, $0x2  }
0xbb: {  	s3 =	sand.u32 $0x4000, s31;
	s1 =	sadd.s32 s1, s30  }
0xbc: {  	s0 =	sor.u32 s3, s0;
	s1 =	sshll.u32 s1, $0x11  }
0xbd: {  	s0 =	sor.u32 s1, s0  }
0xbe: {  	s0 =	sadd.s32 $0x8F2B, s0  }
0xbf: {  	[sflag:s0] =	ssyncadd.remote.s32 $0x1  }
0xc0: {  	_ =	sfence.sel $0xFFFF  }
0xc1: {  	[dreg:$0x0] =	wrdreg $0xFFFFFFFF;
	(pc) =	sbr.abs _section_cstart, $3  }
0xc2: {  	[dreg:$0x1] =	wrdreg $0xFFFFFFFF  }
0xc3: {  	_ =	task.clear_ibuf [dreg:s8], $0x2FFFF;
	_ =	strace $0x9FFFFFFF  }
0xc4: {  	(tm) =	ssettm $0x7FFFFFFF  }
0xc5: {  	_ =	shalt  }
tec
execute0_lowered:
.L_overlay_start_1:
0x0: {  	(tag) =	ssettag $0x1  }
0x1: {  	s1 =	rddreg [dreg:$0x0]  }
0x2: {  	s2 =	srdreg.scid;
	s6 =	rddreg [dreg:$0x1]  }
0x3: {  	s0 =	stileid.u32;
	s3 =	rddreg [dreg:$0x2];
	s4 =	simm.s32 $0x0  }
0x4: {  	s10 =	simm.s32 $0x2000;
	s11 =	simm.s32 $0x1000;
	s7 =	sand.u32 $0x1, s2  }
0x5: {  	s12 =	simm.s32 $0x7;
	s5 =	sshll.u32 s0, $0x8;
	s8 =	sshll.u32 s7, $0x7  }
.Ltmp0:
0x6: {  	s13 =	simm.s32 $0x0;
	s5 =	sor.u32 s8, s5;
	(pc) =	sbr.rel .LBB2_1-.Ltmp0, $4  }
0x7: {  	s2 =	rddreg [dreg:$0x3];
	s7 =	ssub.s32 $0x2, s7;
	s8 =	sshll.u32 s5, $0x2  }
0x8: {  	[smem:$0x7FF] =	sst s4;
	s31 =	sshrl.u32 s7, $0x1;
	s8 =	sadd.s32 s8, s6  }
0x9: {  	_ =	strace $0x80000047;
	s9 =	ssub.s32 s7, s31;
	s6 =	sadd.s32 $0x600, s8  }
0xa: {  	s7 =	sadd.s32 $0x4600, s8;
	s8 =	smax.u32 s9, $0x1;
	s9 =	simm.s32 $0x8  }
.LBB2_16:
0xb: {  	_ =	swait.ge [sflag:s12], $0x1000  }
0xc: {  	[sflag:s12] =	ssyncset.done $0x0  }
0xd: {  	[sflag:s12] =	ssyncadd.s32 $0xFFFFF000  }
0xe: {  	_ =	swait.ge [sflag:s12], $0x1000  }
0xf: {  	[sflag:s12] =	ssyncset.done $0x0  }
0x10: {  	s13 =	sadd.s32 $0x1, s13;
	[sflag:s12] =	ssyncadd.s32 $0xFFFFF000  }
0x11: {  	p0 =	sne.s32 s13, s8;
	_ =	swait.ge [sflag:s12], $0x1000  }
.Ltmp1:
0x12: {  	[sflag:s12] =	ssyncset.done $0x0;
	(pc) =	sbr.rel @!p0 .LBB2_17-.Ltmp1, $4  }
0x13: {  	[sflag:s12] =	ssyncadd.s32 $0xFFFFF000  }
0x14: {  	_ =	swait.ge [sflag:s12], $0x1000  }
0x15: {  	[sflag:s12] =	ssyncset.done $0x0  }
0x16: {  	[sflag:s12] =	ssyncadd.s32 $0xFFFFF000  }
.LBB2_1:
0x17: {  	[tilespmem:s4], [sflag:$0x8] =	stream.linear.gather [hbm4b:s6+s4], $0x1000, $0x38;
	v63 =	vld [tilespmem:$0x0]  }
0x18: {  	_ =	swait.ge [sflag:s9], $0x1000  }
0x19: {  	[sflag:s9] =	ssyncset.done $0x0  }
0x1a: {  	[sflag:s9] =	ssyncadd.s32 $0xFFFFF000  }
0x1b: {  	[tilespmem:s10], [sflag:$0x8] =	stream.linear.gather [hbm4b:s7+s4], $0x1000, $0x38;
	v63 =	vld [tilespmem:$0x0]  }
0x1c: {  	_ =	swait.ge [sflag:s9], $0x1000  }
0x1d: {  	[sflag:s9] =	ssyncset.done $0x0  }
0x1e: {  	s14 =	simm.s32 $0x2010;
	[sflag:s9] =	ssyncadd.s32 $0xFFFFF000  }
0x1f: {  	v0 =	vld [tilespmem:s14+$0xFFFFFFF0];
	_ =	sdelay $0x4  }
0x20: {  	v1 =	vsub.s32 $0x1, v0;
	(xrf0) =	vadd.scan.msk.s32 $0xffff, v0  }
0x21: {  	(xrf0) =	vadd.scan.msk.s32 $0xffff, v1;
	_ =	sdelay $0x1  }
0x22: {  	v52 =	vmov s4;
	s15 =	simm.s32 $0xFFF  }
0x23: {  	v2 =	vmov s15;
	v1 =	vadd.s32 $0xFFFFFFFF, v52  }
0x24: {  	v2 =	vadd.s32 $0x1, v2;
	v1 =	vbroadcast v1, $0x0  }
0x25: {  	s16 =	simm.s32 $0x10;
	v2 =	vbroadcast v2, $0x0;
	vm0 =	vne.s32 v0, $0x0;
	v3, _, _ =	vpop (xrf0)  }
0x26: {  	v53 =	vld [tilespmem:s16+$0xFFFFFFF0];
	vm1 =	veq.s32 v0, $0x0;
	v1 =	vadd.s32 v3, v1;
	v4, _, _ =	vpop (xrf0)  }
0x27: {  	v2 =	vsub.s32 v2, v4;
	_ =	sdelay $0x3  }
0x28: {  	[tilespmem:v1+s11+$0x0] =	vst.idx.msk vm0, v53  }
0x29: {  	[tilespmem:v2+s11+$0x0] =	vst.idx.msk vm1, v53  }
0x2a: {  	v0 =	vld [tilespmem:s14+$0x0];
	_ =	sdelay $0x4  }
0x2b: {  	(xrf0) =	vadd.scan.msk.s32 $0xffff, v0;
	_ =	sdelay $0x4  }
0x2c: {  	(v2sf) =	vpush v4, $0xF  }
0x2d: {  	(v2sf) =	vpush v3, $0xF;
	v54, _, _ =	vpop (xrf0)  }
0x2e: {  	(v2sf) =	vpush v54, $0xF;
	_ =	sdelay $0xc  }
0x2f: {  	s17 =	spop (v2sf)  }
0x30: {  	s26 =	sand.u32 $0x7F, s4;
	s18 =	spop (v2sf)  }
0x31: {  	p0 =	por $0x1, $0x1;
	s20 =	sadd.s32 $0x0, s18;
	s21 =	spop (v2sf)  }
0x32: {  	s23 =	simm.s32 $0x1;
	p1 =	sne.s32 s26, $0x0;
	v55 =	vsub.s32 $0x1, v0;
	s15 =	sadd.s32 s20, s21  }
0x33: {  	s24 =	simm.s32 $0x1;
	p0 =	por !p0, !p1;
	(xrf0) =	vadd.scan.msk.s32 $0xffff, v55;
	s22 =	sand.u32 $0x7F, s15  }
0x34: {  	s19 =	sshra.s32 s15, $0x1F;
	p5 =	slt.s32 s15, $0x1;
	p2 =	sne.s32 s22, $0x0  }
0x35: {  	p0 =	por !p0, !p0;
	s19 =	sshrl.u32 s19, $0x19;
	p6 =	por !p5, !p2  }
0x36: {  	s23 =	simm.s32 @!p0 $0x0;
	s28 =	sadd.s32 s19, s15;
	p0 =	por !p6, !p6  }
0x37: {  	s19 =	ssub.s32 $0x0, s23;
	s22 =	sshra.s32 s28, $0x7;
	s24 =	simm.s32 @!p0 $0x0  }
0x38: {  	p0 =	sgt.s32 s19, $0x3;
	s22 =	ssub.s32 s22, s24  }
0x39: {  	v2, _, _ =	vpop (xrf0);
	s18 =	sadd.s32 s18, s21;
	p2 =	sle.s32 @!p0 s22, s19  }
0x3a: {  	(v2sf) =	vpush v2, $0xF;
	s18 =	scvt.s32.f32 s18;
	p1 =	por p2, p0  }
0x3b: {  	s21 =	smulhi.u32 @!p1 $0x2AAAAAAB, s19;
	s22 =	sshra.s32 @!p1 s19, $0x1F  }
0x3c: {  	v56 =	vmov s18;
	s18 =	smul.u32 @!p1 $0x2AAAAAAB, s22;
	_ =	sdelay $0x1  }
0x3d: {  	s17 =	sadd.s32 $0x0, s17;
	v3 =	vmax.f32 v56, $1.000000000e+00;
	s18 =	sadd.s32 @!p1 s18, s21  }
0x3e: {  	s29 =	ssub.s32 $0xFFF, s17;
	v57 =	vmov s20;
	v3 =	vbroadcast v3, $0x0;
	s20 =	sshrl.u32 @!p1 s18, $0x1F  }
0x3f: {  	v5 =	vmov s29;
	v4 =	vadd.s32 $0xFFFFFFFF, v57;
	s20 =	sadd.s32 @!p1 s20, s18  }
0x40: {  	v59 =	vadd.s32 $0x1, v5;
	v58 =	vbroadcast v4, $0x0;
	(erf) = vrcp.f32 v3;
	s18 =	smul.u32 @!p1 $0xFFFFFFFA, s20  }
0x41: {  	v60 =	vld [tilespmem:s16+$0x0];
	vm14 =	vne.s32 v0, $0x0;
	v4 =	vbroadcast v59, $0x0;
	s16 =	ssub.s32 @!p1 $0x0, s19  }
0x42: {  	vm15 =	veq.s32 v0, $0x0;
	v1 =	vadd.s32 v54, v58;
	p3 =	slt.s32 @!p1 s19, $0x1;
	p4 =	sne.s32 @!p1 s18, s16  }
0x43: {  	v2 =	vsub.s32 v4, v2;
	p3 =	por @!p1 !p3, !p4  }
0x44: {  	p3 =	por @!p1 !p3, !p3  }
0x45: {  	p2 =	por @!p0 !p3, p2  }
0x46: {  	s21 =	simm.s32 @!p1 $0x1;
	p0 =	por !p2, p0  }
0x47: {  	s31 =	simm.s32 $0x0;
	[tilespmem:v1+s11+$0x0] =	vst.idx.msk vm14, v60;
	s21 =	simm.s32 @!p0 $0x0  }
0x48: {  	[tilespmem:v2+s11+$0x0] =	vst.idx.msk vm15, v60;
	v61 =	vmov s15;
	s30 =	spop (v2sf);
	s23 =	sshll.u32 @!p1 s19, $0x9;
	s20 =	ssub.s32 @!p1 s20, s21  }
0x49: {  	[tilespmem:s31+$0x1F000] =	vst v61;
	v62 =	vpop (erf);
	s18 =	sadd.s32 s17, s30;
	s17 =	sshra.s32 @!p1 s23, $0x2;
	s22 =	smul.u32 @!p1 $0xFFFFFFFA, s20  }
0x4a: {  	s16 =	simm.s32 $0x40;
	[tilespmem:s31+$0x1F800] =	vst v62;
	s21 =	sadd.s32 @!p1 $0x1000, s17;
	s17 =	simm.s32 $0x30  }
.LBB2_2:
0x4b: {  	s19 =	sadd.s32 @!p1 s19, s22  }
0x4c: {  	s14 =	sadd.s32 $0x20, s14;
	s20 =	smov.u32 s16;
	s16 =	sadd.s32 $0x40, s16  }
0x4d: {  	p0 =	sne.s32 s16, $0x2000;
	s22 =	sshll.u32 @!p1 s19, $0x10;
	s19 =	sadd.s32 @!p1 $0x1, s19  }
0x4e: {  	s23 =	simm.s32 @!p1 $0x80;
	s22 =	sshra.s32 @!p1 s22, $0x2  }
0x4f: {  	s22 =	sor.u32 @!p1 $0x3000, s22  }
0x50: {  	[tilespmem:s22], [sflag:s19] =	stream.indirect.gather @!p1 [hbm4b:s1+s23], $0x80, s21, s23, $0xb8;
	v63 =	vld [tilespmem:$0x0]  }
0x51: {  	v0 =	vld [tilespmem:s14+$0xFFFFFFF0];
	_ =	sdelay $0x4  }
0x52: {  	v2 =	vmov s15;
	s19 =	ssub.s32 $0xFFF, s18;
	v1 =	vsub.s32 $0x1, v0;
	(xrf0) =	vadd.scan.msk.s32 $0xffff, v0  }
0x53: {  	v2 =	vadd.s32 $0xFFFFFFFF, v2;
	v3 =	vmov s19;
	(xrf0) =	vadd.scan.msk.s32 $0xffff, v1  }
0x54: {  	v1 =	vbroadcast v2, $0x0;
	v2 =	vadd.s32 $0x1, v3  }
0x55: {  	vm0 =	vne.s32 v0, $0x0;
	v2 =	vbroadcast v2, $0x0  }
0x56: {  	vm1 =	veq.s32 v0, $0x0;
	v0 =	vld [tilespmem:s17+$0xFFFFFFF0];
	_ =	sdelay $0x1  }
0x57: {  	v3, _, _ =	vpop (xrf0)  }
0x58: {  	v1 =	vadd.s32 v3, v1;
	v4, _, _ =	vpop (xrf0)  }
0x59: {  	v2 =	vsub.s32 v2, v4;
	(v2sf) =	vpush v4, $0xF;
	_ =	sdelay $0x3  }
0x5a: {  	[tilespmem:v1+s11+$0x0] =	vst.idx.msk vm0, v0  }
0x5b: {  	[tilespmem:v2+s11+$0x0] =	vst.idx.msk vm1, v0  }
0x5c: {  	v0 =	vld [tilespmem:s14+$0x0];
	_ =	sdelay $0x4  }
0x5d: {  	v1 =	vsub.s32 $0x1, v0;
	(xrf0) =	vadd.scan.msk.s32 $0xffff, v0  }
0x5e: {  	(xrf0) =	vadd.scan.msk.s32 $0xffff, v1;
	_ =	sdelay $0x1  }
0x5f: {  	(v2sf) =	vpush v3, $0xF  }
0x60: {  	s19 =	spop (v2sf);
	_ =	sdelay $0x1  }
0x61: {  	v1, _, _ =	vpop (xrf0)  }
0x62: {  	v2, _, _ =	vpop (xrf0);
	(v2sf) =	vpush v1, $0xF  }
0x63: {  	(v2sf) =	vpush v2, $0xF;
	_ =	sdelay $0x9  }
0x64: {  	s18 =	sadd.s32 s18, s19;
	s19 =	sshra.s32 s15, $0x1F;
	s21 =	spop (v2sf)  }
0x65: {  	p1 =	slt.s32 s15, $0x1;
	s19 =	sshrl.u32 s19, $0x19;
	s22 =	sadd.s32 s15, s21  }
0x66: {  	s23 =	ssub.s32 $0xFFF, s18;
	s19 =	sadd.s32 s19, s15;
	s15 =	sand.u32 $0x7F, s15;
	v3 =	vmov s22  }
0x67: {  	s24 =	simm.s32 $0x1;
	v4 =	vmov s23;
	p2 =	sne.s32 s15, $0x0;
	v3 =	vadd.s32 $0xFFFFFFFF, v3  }
0x68: {  	v4 =	vadd.s32 $0x1, v4;
	s19 =	sshra.s32 s19, $0x7;
	p1 =	por !p1, !p2;
	v3 =	vbroadcast v3, $0x0;
	s23 =	spop (v2sf)  }
0x69: {  	vm0 =	vne.s32 v0, $0x0;
	v4 =	vbroadcast v4, $0x0;
	p1 =	por !p1, !p1;
	s15 =	sadd.s32 s22, s23;
	s22 =	spop (v2sf)  }
0x6a: {  	vm1 =	veq.s32 v0, $0x0;
	s24 =	simm.s32 @!p1 $0x0;
	v0 =	vld [tilespmem:s17+$0x0];
	v1 =	vadd.s32 v1, v3;
	s18 =	sadd.s32 s18, s22;
	s22 =	sshra.s32 s15, $0x1F  }
0x6b: {  	v2 =	vsub.s32 v4, v2;
	s21 =	sadd.s32 s21, s23;
	p1 =	slt.s32 s15, $0x1;
	s25 =	sand.u32 $0x7F, s15  }
0x6c: {  	s19 =	ssub.s32 s19, s24;
	s22 =	sshrl.u32 s22, $0x19;
	p2 =	sne.s32 s25, $0x0  }
0x6d: {  	s22 =	sadd.s32 s22, s15;
	p1 =	por !p1, !p2;
	p2 =	sgt.s32 s19, $0x3  }
0x6e: {  	s23 =	simm.s32 $0x1;
	s22 =	sshra.s32 s22, $0x7;
	p1 =	por !p1, !p1  }
0x6f: {  	s21 =	scvt.s32.f32 s21;
	s23 =	simm.s32 @!p1 $0x0;
	[tilespmem:v1+s11+$0x0] =	vst.idx.msk vm0, v0  }
0x70: {  	s24 =	sshra.s32 s20, $0x2;
	s20 =	ssub.s32 s22, s23;
	[tilespmem:v2+s11+$0x0] =	vst.idx.msk vm1, v0;
	v0 =	vmov s15  }
0x71: {  	p3 =	sle.s32 @!p2 s20, s19;
	[tilespmem:s24+$0x1F000] =	vst v0;
	v0 =	vmov s21  }
0x72: {  	p1 =	por p3, p2;
	v0 =	vmax.f32 v0, $1.000000000e+00  }
0x73: {  	s21 =	smulhi.u32 @!p1 $0x2AAAAAAB, s19;
	s22 =	sshra.s32 @!p1 s19, $0x1F;
	s23 =	ssub.s32 @!p1 $0x0, s19;
	v0 =	vbroadcast v0, $0x0  }
0x74: {  	p4 =	slt.s32 @!p1 s19, $0x1;
	s25 =	sshll.u32 @!p1 s19, $0x9;
	s22 =	smul.u32 @!p1 $0x2AAAAAAB, s22  }
0x75: {  	s25 =	sshra.s32 @!p1 s25, $0x2;
	(erf) = vrcp.f32 v0  }
0x76: {  	s22 =	sadd.s32 @!p1 s22, s21;
	s21 =	sadd.s32 @!p1 $0x1000, s25  }
0x77: {  	s25 =	sshrl.u32 @!p1 s22, $0x1F  }
0x78: {  	s22 =	sadd.s32 @!p1 s25, s22  }
0x79: {  	s25 =	smul.u32 @!p1 $0xFFFFFFFA, s22;
	_ =	sdelay $0x1  }
0x7a: {  	p5 =	sne.s32 @!p1 s25, s23  }
0x7b: {  	p4 =	por @!p1 !p4, !p5  }
0x7c: {  	p4 =	por @!p1 !p4, !p4  }
0x7d: {  	s23 =	simm.s32 @!p1 $0x1;
	p3 =	por @!p2 !p4, p3;
	v0 =	vpop (erf)  }
.Ltmp2:
0x7e: {  	p2 =	por !p3, p2;
	[tilespmem:s24+$0x1F800] =	vst v0;
	(pc) =	sbr.rel @p0 .LBB2_2-.Ltmp2, $4  }
0x7f: {  	s23 =	simm.s32 @!p2 $0x0  }
0x80: {  	s22 =	ssub.s32 @!p1 s22, s23  }
0x81: {  	s22 =	smul.u32 @!p1 $0xFFFFFFFA, s22  }
0x82: {  	s17 =	sadd.s32 $0x20, s17  }
0x83: {  	s14 =	sadd.s32 $0x7F, s15  }
0x84: {  	s15 =	sand.u32 $0x7F, s14  }
0x85: {  	s16 =	sshra.s32 s14, $0x1F;
	p0 =	slt.s32 s14, $0x1;
	p2 =	sne.s32 s15, $0x0  }
0x86: {  	s31 =	sshrl.u32 s16, $0x19;
	p0 =	por !p0, !p2  }
0x87: {  	s15 =	simm.s32 $0x1;
	s14 =	sadd.s32 s31, s14;
	p0 =	por !p0, !p0  }
0x88: {  	s14 =	sshra.s32 s14, $0x7;
	s15 =	simm.s32 @!p0 $0x0  }
0x89: {  	p2 =	sgt.s32 s20, $0x3;
	s14 =	ssub.s32 s14, s15  }
0x8a: {  	p3 =	sge.s32 @!p2 s20, s14  }
0x8b: {  	p0 =	por p3, p2  }
0x8c: {  	s15 =	smulhi.u32 @!p0 $0x2AAAAAAB, s20;
	s16 =	sshra.s32 @!p0 s20, $0x1F  }
0x8d: {  	s16 =	smul.u32 @!p0 $0x2AAAAAAB, s16;
	_ =	sdelay $0x1  }
0x8e: {  	s15 =	sadd.s32 @!p0 s16, s15  }
0x8f: {  	s16 =	sshrl.u32 @!p0 s15, $0x1F  }
0x90: {  	s15 =	sadd.s32 @!p0 s16, s15  }
0x91: {  	s16 =	smul.u32 @!p0 $0xFFFFFFFA, s15  }
0x92: {  	s17 =	ssub.s32 @!p0 $0x0, s20  }
0x93: {  	p5 =	slt.s32 @!p0 s20, $0x1;
	p4 =	sne.s32 @!p0 s16, s17  }
0x94: {  	p4 =	por @!p0 !p5, !p4  }
0x95: {  	p4 =	por @!p0 !p4, !p4  }
0x96: {  	p3 =	por @!p2 !p4, p3  }
0x97: {  	s16 =	sadd.s32 @!p1 s19, s22;
	s17 =	simm.s32 @!p0 $0x1;
	p2 =	por !p3, p2  }
0x98: {  	s18 =	sshll.u32 @!p1 s16, $0x10;
	s17 =	simm.s32 @!p2 $0x0  }
0x99: {  	s16 =	sadd.s32 @!p1 $0x1, s16;
	s18 =	sshra.s32 @!p1 s18, $0x2;
	s15 =	ssub.s32 @!p0 s15, s17  }
0x9a: {  	s18 =	sor.u32 @!p1 $0x3000, s18;
	s17 =	simm.s32 @!p1 $0x80;
	s15 =	smul.u32 @!p0 $0xFFFFFFFA, s15  }
0x9b: {  	[tilespmem:s18], [sflag:s16] =	stream.indirect.gather @!p1 [hbm4b:s1+s17], $0x80, s21, s17, $0xb8;
	v63 =	vld [tilespmem:$0x0]  }
0x9c: {  	s15 =	sadd.s32 @!p0 s20, s15  }
0x9d: {  	s17 =	sshll.u32 @!p0 s20, $0x9;
	s16 =	sshll.u32 @!p0 s15, $0x10  }
0x9e: {  	s18 =	simm.s32 @!p0 $0x80;
	s17 =	sshra.s32 @!p0 s17, $0x2;
	s16 =	sshra.s32 @!p0 s16, $0x2  }
0x9f: {  	s17 =	sadd.s32 @!p0 $0x1000, s17;
	s15 =	sadd.s32 @!p0 $0x1, s15;
	s16 =	sor.u32 @!p0 $0x3000, s16  }
0xa0: {  	[tilespmem:s16], [sflag:s15] =	stream.indirect.gather @!p0 [hbm4b:s1+s18], $0x80, s17, s18, $0xb8;
	v63 =	vld [tilespmem:$0x0]  }
0xa1: {  	v0 =	vld [tilespmem:$0x1F000];
	_ =	sdelay $0x4  }
0xa2: {  	(v2sf) =	vpush v0, $0x0;
	_ =	sdelay $0xa  }
.Ltmp3:
0xa3: {  	_ = 	snop;
	(pc) =	sbr.rel .LBB2_5-.Ltmp3, $4  }
0xa4: {  	_ = 	snop  }
0xa5: {  	s20 =	simm.s32 $0x0  }
0xa6: {  	p0 =	sgt.s32 s14, $0x1;
	s15 =	smov.u32 s14;
	s17 =	simm.s32 $0x0  }
0xa7: {  	s16 =	simm.s32 $0x0;
	s15 =	simm.s32 @!p0 $0x1;
	s21 =	spop (v2sf)  }
.LBB2_15:
0xa8: {  	s22 =	smov.u32 @p0 s22;
	s19 =	smov.u32 @p0 s19  }
0xa9: {  	s21 =	smov.u32 @p0 s21;
	s17 =	smov.u32 s22;
	s20 =	smov.u32 s19  }
.LBB2_4:
0xaa: {  	p0 =	seq.s32 s16, s15  }
.Ltmp4:
0xab: {  	_ = 	snop;
	(pc) =	sbr.rel @p0 .LBB2_16-.Ltmp4, $1  }
0xac: {  	_ =	sdelay $0x3  }
.LBB2_5:
0xad: {  	p1 =	sge.s32 s16, s14;
	s19 =	sadd.s32 $0x4, s16  }
0xae: {  	s18 =	smulhi.u32 @!p1 $0xAAAAAAAB, s16;
	p0 =	sge.s32 s19, s14  }
0xaf: {  	s22 =	smulhi.u32 @!p0 $0xAAAAAAAB, s19  }
0xb0: {  	s18 =	sshrl.u32 @!p1 s18, $0x2  }
0xb1: {  	s18 =	smul.u32 @!p1 $0xFFFFFFE8, s18;
	s22 =	sshrl.u32 @!p0 s22, $0x2  }
0xb2: {  	s22 =	smul.u32 @!p0 $0x6, s22  }
0xb3: {  	s18 =	sshra.s32 @!p1 s18, $0x2  }
0xb4: {  	s18 =	sadd.s32 @!p1 s16, s18;
	s22 =	ssub.s32 @!p0 s19, s22  }
0xb5: {  	s19 =	sshll.u32 @!p0 s19, $0x9;
	s16 =	sadd.s32 $0x1, s16;
	s18 =	sadd.s32 @!p1 $0x1, s18  }
0xb6: {  	s23 =	sshll.u32 @!p0 s22, $0xE;
	s19 =	sshra.s32 @!p0 s19, $0x2;
	_ =	swait.ge @!p1 [sflag:s18], $0x4000  }
0xb7: {  	s22 =	sadd.s32 @!p0 $0x1, s22;
	s19 =	sadd.s32 @!p0 $0x1000, s19;
	[sflag:s18] =	ssyncset.done @!p1 $0x0  }
0xb8: {  	[sflag:s18] =	ssyncadd.s32 @!p1 $0xFFFFC000;
	s18 =	sor.u32 @!p0 $0x3000, s23;
	s23 =	simm.s32 @!p0 $0x80  }
0xb9: {  	[tilespmem:s18], [sflag:s22] =	stream.indirect.gather @!p0 [hbm4b:s1+s23], $0x80, s19, s23, $0xb8;
	v63 =	vld [tilespmem:$0x0]  }
0xba: {  	s18 =	sshll.u32 s16, $0x7;
	p0 =	sgt.s32 s17, $0x7F  }
0xbb: {  	p1 =	sgt.s32 @!p0 s21, s18  }
0xbc: {  	p1 =	por p0, p1  }
.Ltmp5:
0xbd: {  	_ = 	snop;
	(pc) =	sbr.rel @!p1 .LBB2_7-.Ltmp5, $1  }
0xbe: {  	_ =	sdelay $0x3  }
.Ltmp6:
0xbf: {  	(pc) =	sbr.rel .LBB2_4-.Ltmp6, $2  }
0xc0: {  	_ =	sdelay $0x2  }
0xc1: {  	s17 =	smov.u32 @p0 s17;
	s20 =	smov.u32 @p0 s20;
	s21 =	smov.u32 @p0 s21  }
.LBB2_9:
0xc2: {  	v3 =	vimm.f32 $0.0e+00;
	v4 =	vimm.f32 $0.0e+00  }
0xc3: {  	v5 =	vimm.f32 $0.0e+00;
	v9 =	vimm.f32 $0.0e+00;
	v10 =	vimm.f32 $0.0e+00  }
0xc4: {  	v12 =	vimm.f32 $0.0e+00;
	v1 =	vimm.f32 $0.0e+00;
	v2 =	vimm.f32 $0.0e+00  }
.LBB2_13:
0xc5: {  	s21 =	sshra.s32 s22, $0x2;
	v14 =	vld @p0 [tilespmem:s20+$0x3070]  }
0xc6: {  	v15 =	vld [tilespmem:s21+$0x3000]  }
0xc7: {  	v16 =	vld [tilespmem:s21+$0x3010]  }
0xc8: {  	v17 =	vld [tilespmem:s21+$0x3020]  }
0xc9: {  	v18 =	vld [tilespmem:s21+$0x3030]  }
0xca: {  	v19 =	vld [tilespmem:s21+$0x3040]  }
0xcb: {  	v4 =	vadd.f32 @p0 v7, v4;
	v20 =	vld [tilespmem:s21+$0x3050]  }
0xcc: {  	v5 =	vadd.f32 @p0 v8, v5;
	v7 =	vadd.f32 @p0 v11, v9;
	v8 =	vld [tilespmem:s21+$0x3060]  }
0xcd: {  	v6 =	vadd.f32 @p0 v6, v3;
	v9 =	vadd.f32 @p0 v13, v10;
	v60 =	vld [tilespmem:s21+$0x3070];
	v4 =	vpsel p0, v4, v0  }
0xce: {  	v61 =	vpsel p0, v5, v0;
	v62 =	vpsel p0, v7, v0;
	v10 =	vadd.f32 @p0 v14, v12  }
0xcf: {  	v9 =	vpsel p0, v9, v0;
	v3 =	vadd.f32 v15, v1;
	v1 =	vadd.f32 v16, v2  }
0xd0: {  	v2 =	vpsel p0, v6, v0;
	v6 =	vadd.f32 v18, v4;
	v7 =	vadd.f32 v19, v61  }
0xd1: {  	v4 =	vadd.f32 v20, v62;
	v5 =	vadd.f32 v17, v2;
	v0 =	vpsel p0, v10, v0  }
0xd2: {  	v2 =	vadd.f32 v8, v9;
	v0 =	vadd.f32 v60, v0  }
.LBB2_14:
0xd3: {  	s20 =	sshll.u32 s17, $0x6  }
0xd4: {  	s20 =	sshra.s32 s20, $0x2  }
0xd5: {  	v8 =	vld [tilespmem:s20+$0x1F800];
	_ =	sdelay $0x4  }
0xd6: {  	s31 =	sshll.u32 s17, $0x9;
	v3 =	vmul.f32 v8, v3  }
0xd7: {  	s20 =	sshra.s32 s31, $0x2;
	v1 =	vmul.f32 v8, v1  }
0xd8: {  	v59 =	vmul.f32 v8, v5;
	[tilespmem:s20+$0x1B000] =	vst v3  }
0xd9: {  	s21 =	sand.u32 $0x1F, s17;
	v60 =	vmul.f32 v8, v6;
	[tilespmem:s20+$0x1B010] =	vst v1  }
0xda: {  	p0 =	sne.s32 s21, $0x1F;
	v61 =	vmul.f32 v8, v7;
	[tilespmem:s20+$0x1B020] =	vst v59  }
0xdb: {  	s21 =	sadd.s32 @!p0 $0xFFFFFFE1, s17;
	v62 =	vmul.f32 v8, v4;
	[tilespmem:s20+$0x1B030] =	vst v60  }
0xdc: {  	s22 =	sadd.s32 @!p0 s5, s21;
	v2 =	vmul.f32 v8, v2;
	[tilespmem:s20+$0x1B040] =	vst v61  }
0xdd: {  	s21 =	sshll.u32 @!p0 s21, $0x9;
	s22 =	sshll.u32 @!p0 s22, $0x4;
	v0 =	vmul.f32 v8, v0;
	[tilespmem:s20+$0x1B050] =	vst v62  }
0xde: {  	s21 =	sshra.s32 @!p0 s21, $0x2;
	s22 =	sand.u32 @!p0 $0x1FFFFE00, s22;
	[tilespmem:s20+$0x1B060] =	vst v2  }
0xdf: {  	s21 =	sadd.s32 @!p0 $0x1B000, s21;
	[tilespmem:s20+$0x1B070] =	vst v0;
	s20 =	sadd.s32 @!p0 s3, s22;
	s22 =	simm.s32 @!p0 $0x0  }
0xe0: {  	[hbm4b:s20+s22] =	stream.linear.scatter @!p0 [tilespmem:s21], [sflag:$0x7], $0x1000, $0x38;
	v63 =	vld [tilespmem:$0x0]  }
0xe1: {  	s22 =	sadd.s32 $0x1, s17  }
0xe2: {  	p0 =	slt.s32 s22, $0x7F;
	s20 =	smov.u32 s22  }
0xe3: {  	s20 =	simm.s32 @!p0 $0x7F  }
0xe4: {  	s20 =	sshll.u32 s20, $0x6  }
0xe5: {  	s20 =	sshra.s32 s20, $0x2  }
0xe6: {  	v0 =	vld [tilespmem:s20+$0x1F000];
	_ =	sdelay $0x4  }
0xe7: {  	(v2sf) =	vpush v0, $0x0;
	_ =	sdelay $0xe  }
0xe8: {  	p0 =	sgt.s32 s17, $0x7E;
	s21 =	spop (v2sf)  }
0xe9: {  	p1 =	sle.s32 @!p0 s21, s18  }
0xea: {  	p1 =	por p0, !p1  }
.Ltmp7:
0xeb: {  	_ = 	snop;
	(pc) =	sbr.rel @p1 .LBB2_15-.Ltmp7, $2  }
0xec: {  	_ =	sdelay $0x2  }
0xed: {  	s17 =	smov.u32 s22;
	s20 =	smov.u32 s19  }
.LBB2_7:
0xee: {  	p0 =	sle.s32 s21, s20  }
.Ltmp8:
0xef: {  	_ = 	snop;
	(pc) =	sbr.rel @p0 .LBB2_14-.Ltmp8, $4  }
0xf0: {  	_ = 	snop  }
0xf1: {  	v3 =	vimm.f32 $0.0e+00;
	v1 =	vimm.f32 $0.0e+00  }
0xf2: {  	v5 =	vimm.f32 $0.0e+00;
	v6 =	vimm.f32 $0.0e+00;
	v7 =	vimm.f32 $0.0e+00  }
0xf3: {  	s19 =	smov.u32 s21;
	v4 =	vimm.f32 $0.0e+00;
	v2 =	vimm.f32 $0.0e+00;
	v0 =	vimm.f32 $0.0e+00  }
0xf4: {  	s21 =	smulhi.u32 $0x2AAAAAAB, s20;
	s22 =	sshra.s32 s20, $0x1F  }
0xf5: {  	s22 =	smul.u32 $0x2AAAAAAB, s22;
	_ =	sdelay $0x1  }
0xf6: {  	s21 =	sadd.s32 s22, s21  }
0xf7: {  	s22 =	sshrl.u32 s21, $0x1F;
	s21 =	sshra.s32 s21, $0x7  }
0xf8: {  	s21 =	sadd.s32 s22, s21  }
0xf9: {  	s22 =	smul.u32 $0xFFFFFD00, s21  }
0xfa: {  	s23 =	ssub.s32 $0x0, s20  }
0xfb: {  	p0 =	slt.s32 s20, $0x1;
	p1 =	sne.s32 s22, s23  }
0xfc: {  	p0 =	por !p0, !p1  }
0xfd: {  	s31 =	ssub.s32 s19, s20;
	s22 =	simm.s32 $0x1;
	p0 =	por !p0, !p0  }
0xfe: {  	p1 =	sne.s32 s31, $0x1;
	s22 =	simm.s32 @!p0 $0x0  }
.Ltmp9:
0xff: {  	s21 =	ssub.s32 s21, s22;
	(pc) =	sbr.rel @!p1 .LBB2_9-.Ltmp9, $3  }
0x100: {  	s21 =	smul.u32 $0xFFFFFD00, s21;
	_ =	sdelay $0x1  }
0x101: {  	s21 =	sadd.s32 s20, s21  }
0x102: {  	v0 =	vimm.f32 $0.0e+00;
	s23 =	sadd.s32 $0xFFFFFFFF, s31;
	p0 =	por $0x0, $0x0;
	s22 =	sshll.u32 s21, $0x9  }
0x103: {  	s20 =	sshra.s32 s22, $0x2  }
0x104: {  	v1 =	vld [tilespmem:s20+$0x3000]  }
0x105: {  	p1 =	sne.s32 s23, $0x1;
	v2 =	vld [tilespmem:s20+$0x3010]  }
.Ltmp10:
0x106: {  	v6 =	vld [tilespmem:s20+$0x3020];
	(pc) =	sbr.rel @!p1 .LBB2_11-.Ltmp10, $4  }
0x107: {  	s21 =	sadd.s32 $0x1, s21;
	v7 =	vld [tilespmem:s20+$0x3030]  }
0x108: {  	v3 =	vimm.f32 $0.0e+00;
	v4 =	vimm.f32 $0.0e+00;
	v8 =	vld [tilespmem:s20+$0x3040];
	p0 =	seq.s32 s21, $0x300  }
0x109: {  	v5 =	vimm.f32 $0.0e+00;
	v9 =	vimm.f32 $0.0e+00;
	v10 =	vimm.f32 $0.0e+00;
	v11 =	vld [tilespmem:s20+$0x3050];
	s21 =	simm.s32 @p0 $0x0  }
0x10a: {  	s23 =	sadd.s32 $0xFFFFFFFF, s23;
	v12 =	vimm.f32 $0.0e+00;
	v13 =	vld [tilespmem:s20+$0x3060];
	p0 =	por $0x1, $0x1;
	s22 =	sshll.u32 s21, $0x9;
	v1 =	vadd.f32 v1, v0;
	v2 =	vadd.f32 v2, v0  }
.LBB2_12:
0x10b: {  	p1 =	sne.s32 s23, $0x1;
	v3 =	vadd.f32 v6, v3;
	v14 =	vld [tilespmem:s20+$0x3070];
	s20 =	sshra.s32 s22, $0x2  }
0x10c: {  	v4 =	vadd.f32 v7, v4;
	v15 =	vld [tilespmem:s20+$0x3000]  }
0x10d: {  	v5 =	vadd.f32 v8, v5;
	v16 =	vld [tilespmem:s20+$0x3010]  }
.Ltmp11:
0x10e: {  	v9 =	vadd.f32 v11, v9;
	v6 =	vld [tilespmem:s20+$0x3020];
	(pc) =	sbr.rel @p1 .LBB2_12-.Ltmp11, $4  }
0x10f: {  	s21 =	sadd.s32 $0x1, s21;
	v10 =	vadd.f32 v13, v10;
	v7 =	vld [tilespmem:s20+$0x3030]  }
0x110: {  	p2 =	seq.s32 s21, $0x300;
	v8 =	vld [tilespmem:s20+$0x3040];
	v12 =	vadd.f32 v14, v12  }
0x111: {  	s21 =	simm.s32 @p2 $0x0;
	v1 =	vadd.f32 v15, v1;
	v11 =	vld [tilespmem:s20+$0x3050]  }
0x112: {  	s23 =	sadd.s32 $0xFFFFFFFF, s23;
	s22 =	sshll.u32 s21, $0x9;
	v2 =	vadd.f32 v16, v2;
	v13 =	vld [tilespmem:s20+$0x3060]  }
.Ltmp12:
0x113: {  	_ = 	snop;
	(pc) =	sbr.rel .LBB2_13-.Ltmp12, $1  }
0x114: {  	_ =	sdelay $0x3  }
.LBB2_11:
.Ltmp13:
0x115: {  	(pc) =	sbr.rel .LBB2_13-.Ltmp13, $3  }
0x116: {  	_ =	sdelay $0x1  }
0x117: {  	v3 =	vimm.f32 $0.0e+00;
	v4 =	vimm.f32 $0.0e+00;
	v5 =	vimm.f32 $0.0e+00  }
0x118: {  	v9 =	vimm.f32 $0.0e+00;
	v10 =	vimm.f32 $0.0e+00;
	v12 =	vimm.f32 $0.0e+00  }
.LBB2_17:
0x119: {  	_ =	sfence.sel $0x180000  }
0x11a: {  	[bflag:$0x0] =	sbarrier.arrive $0xFFFF  }
0x11b: {  	p0 =	sne.s32 s0, $0x0;
	_ =	strace $0x90000047  }
0x11c: {  	s0 =	sadd.s32 @!p0 $0x100000, s2;
	[bflag:$0x2] =	sbarrier.arrive $0xFFFF  }
0x11d: {  	[sflag:s0] =	ssyncadd.tile.s32 @!p0 $0x1;
	_ =	shalt  }
.Lfunc_end2:
_tile_overlayer_lowered:
.L_overlay_start_2:
0x11e: {  	(tag) =	ssettag $0x2  }
0x11f: {  	s0 =	rddreg [dreg:$0x0];
	s2 =	stileid.u32  }
0x120: {  	s1 =	rddreg [dreg:$0x1];
	p0 =	sne.s32 s2, $0x0  }
0x121: {  	s3 =	rddreg [dreg:$0x2];
	[bflag:$0x3] =	sbarrier.arrive $0xFFFF;
	s2 =	simm.s32 @!p0 $0x1C08  }
0x122: {  	[timem:s3], [sflag:s2] =	dma.local @!p0 [hbm:s0], s1  }
0x123: {  	s0 =	simm.s32 @!p0 $0x8  }
0x124: {  	_ =	swait.ge @!p0 [sflag:s0], s1  }
0x125: {  	s1 =	ssub.s32 @!p0 $0x0, s1;
	[sflag:s0] =	ssyncset.done @!p0 $0x0  }
0x126: {  	[sflag:s0] =	ssyncadd.s32 @!p0 s1  }
0x127: {  	[bflag:$0x3] =	sbarrier.arrive $0xFFFF  }
0x128: {  	_ =	shalt  }

</sc_bundles>
